<compile_context>
chip_gen: v7x
topology: tpu7x:2x2x1
jax: 0.10.2.dev20260603
libtpu: 0.0.44.dev20260713+nightly
codegen_flags: <defaults>
</compile_context>

<pallas_src>
import jax
import jax.numpy as jnp
from jax import lax
from jax.experimental import pallas as pl
from jax.experimental.pallas import tpu as pltpu
from jax.experimental.pallas import tpu_sc as plsc

_N = 10000
_E = 320000
_D = 128
_G = 128
_T = 16

_NC = 2
_NS = 16
_NW = _NC * _NS
_CHUNK = 80
_EPW = _E // _NW
_NCHUNK = _EPW // _CHUNK
_RPT = 640
_RPT_LAST = _N - 15 * _RPT

_R = 2000
_NBLK = _N // _R


def _sc_aggregate(m, src2d, dst2d, zeros):
  mesh = plsc.VectorSubcoreMesh(core_axis_name="c", subcore_axis_name="s")

  def body(m_hbm, src_hbm, dst_hbm, z_hbm, out_hbm,
           src_v, dst_v, rows_v, acc, sem):
    cid = lax.axis_index("c")
    sid = lax.axis_index("s")
    wid = cid * _NS + sid
    @pl.when(sid < _NS - 1)
    def _zero_main():
      pltpu.sync_copy(z_hbm.at[pl.ds(sid * _RPT, _RPT)],
                      acc.at[pl.ds(sid * _RPT, _RPT)])

    @pl.when(sid == _NS - 1)
    def _zero_last():
      pltpu.sync_copy(z_hbm.at[pl.ds(15 * _RPT, _RPT_LAST)],
                      acc.at[pl.ds(15 * _RPT, _RPT_LAST)])

    pltpu.sync_copy(src_hbm.at[wid], src_v)
    pltpu.sync_copy(dst_hbm.at[wid], dst_v)
    plsc.subcore_barrier()

    def chunk(j, _):
      pltpu.async_copy(m_hbm.at[src_v.at[j]], rows_v, sem).wait()
      pltpu.sync_copy(rows_v, acc.at[dst_v.at[j]], add=True)
      return _

    lax.fori_loop(0, _NCHUNK, chunk, 0)
    plsc.subcore_barrier()

    @pl.when(sid < _NS - 1)
    def _out_main():
      pltpu.sync_copy(acc.at[pl.ds(sid * _RPT, _RPT)],
                      out_hbm.at[pl.ds(cid * _N + sid * _RPT, _RPT)])

    @pl.when(sid == _NS - 1)
    def _out_last():
      pltpu.sync_copy(acc.at[pl.ds(15 * _RPT, _RPT_LAST)],
                      out_hbm.at[pl.ds(cid * _N + 15 * _RPT, _RPT_LAST)])

  k = pl.kernel(
      body,
      mesh=mesh,
      out_type=jax.ShapeDtypeStruct((_NC * _N, _D), jnp.float32),
      scratch_types=[
          pltpu.VMEM((_NCHUNK, _CHUNK), jnp.int32),
          pltpu.VMEM((_NCHUNK, _CHUNK), jnp.int32),
          pltpu.VMEM((_CHUNK, _D), jnp.float32),
          pltpu.VMEM_SHARED((_N, _D), jnp.float32),
          pltpu.SemaphoreType.DMA,
      ],
  )
  return k(m, src2d, dst2d, zeros)


def _premsg_body(x_ref, lw_ref, lb_ref, o_ref):
  e = jax.nn.relu(lw_ref[...] + lb_ref[...])
  o_ref[...] = jax.nn.relu(x_ref[...] + e)


def _premsg(x, lw, lb):
  return pl.pallas_call(
      _premsg_body,
      out_shape=jax.ShapeDtypeStruct((_N, _D), jnp.float32),
  )(x, lw, lb)


def _layer_body(agg_ref, h_ref, w_ref, lw_ref, lb_ref, hn_ref, mn_ref):
  a = agg_ref[0] + agg_ref[1] + h_ref[...]
  hn = jax.nn.relu(jnp.dot(a, w_ref[...], preferred_element_type=jnp.float32))
  hn_ref[...] = hn
  e = jax.nn.relu(lw_ref[...] + lb_ref[...])
  mn_ref[...] = jax.nn.relu(hn + e)


def _layer(agg, h, W, lw_next, lb_next):
  return pl.pallas_call(
      _layer_body,
      grid=(_NBLK,),
      in_specs=[
          pl.BlockSpec((2, _R, _D), lambda i: (0, i, 0)),
          pl.BlockSpec((_R, _D), lambda i: (i, 0)),
          pl.BlockSpec((_D, _D), lambda i: (0, 0)),
          pl.BlockSpec((1, _D), lambda i: (0, 0)),
          pl.BlockSpec((1, _D), lambda i: (0, 0)),
      ],
      out_specs=[
          pl.BlockSpec((_R, _D), lambda i: (i, 0)),
          pl.BlockSpec((_R, _D), lambda i: (i, 0)),
      ],
      out_shape=[
          jax.ShapeDtypeStruct((_N, _D), jnp.float32),
          jax.ShapeDtypeStruct((_N, _D), jnp.float32),
      ],
  )(agg, h, W, lw_next, lb_next)


def _final_body(agg_ref, h_ref, w_ref, b_ref, rw_ref, o_ref, sums, cnts):
  i = pl.program_id(0)

  @pl.when(i == 0)
  def _init():
    sums[...] = jnp.zeros_like(sums)
    cnts[...] = jnp.zeros_like(cnts)

  a = agg_ref[0] + agg_ref[1] + h_ref[...]
  h3 = jax.nn.relu(jnp.dot(a, w_ref[...], preferred_element_type=jnp.float32))
  p = (b_ref[...] == lax.broadcasted_iota(jnp.int32, (1, _G), 1)
       ).astype(jnp.float32)
  sums[...] += lax.dot_general(p, h3, (((0,), (0,)), ((), ())),
                               preferred_element_type=jnp.float32)
  cnts[...] += lax.dot_general(p, jnp.ones((_R, _D), jnp.float32),
                               (((0,), (0,)), ((), ())),
                               preferred_element_type=jnp.float32)

  @pl.when(i == _NBLK - 1)
  def _readout():
    pooled = sums[...] / jnp.maximum(cnts[...], 1.0)
    o_ref[...] = jnp.dot(pooled, rw_ref[...],
                         preferred_element_type=jnp.float32)


def _final(agg, h, W, batch2d, rw):
  return pl.pallas_call(
      _final_body,
      grid=(_NBLK,),
      in_specs=[
          pl.BlockSpec((2, _R, _D), lambda i: (0, i, 0)),
          pl.BlockSpec((_R, _D), lambda i: (i, 0)),
          pl.BlockSpec((_D, _D), lambda i: (0, 0)),
          pl.BlockSpec((_R, 1), lambda i: (i, 0)),
          pl.BlockSpec((_D, _T), lambda i: (0, 0)),
      ],
      out_specs=pl.BlockSpec((_G, _T), lambda i: (0, 0)),
      out_shape=jax.ShapeDtypeStruct((_G, _T), jnp.float32),
      scratch_shapes=[
          pltpu.VMEM((_G, _D), jnp.float32),
          pltpu.VMEM((_G, _D), jnp.float32),
      ],
  )(agg, h, W, batch2d, rw)


def kernel(x, edge_index, batch, W0, W1, W2,
           l0w, l0b, l1w, l1b, l2w, l2b, rw):
  src2d = edge_index[0].reshape(_NW, _NCHUNK, _CHUNK)
  dst2d = edge_index[1].reshape(_NW, _NCHUNK, _CHUNK)
  zeros = jnp.zeros((_N, _D), jnp.float32)
  batch2d = batch.reshape(_N, 1)
  l0b2, l1b2, l2b2 = (l0b.reshape(1, _D), l1b.reshape(1, _D),
                      l2b.reshape(1, _D))

  m0 = _premsg(x, l0w, l0b2)
  agg0 = _sc_aggregate(m0, src2d, dst2d, zeros).reshape(2, _N, _D)
  h1, m1 = _layer(agg0, x, W0, l1w, l1b2)
  agg1 = _sc_aggregate(m1, src2d, dst2d, zeros).reshape(2, _N, _D)
  h2, m2 = _layer(agg1, h1, W1, l2w, l2b2)
  agg2 = _sc_aggregate(m2, src2d, dst2d, zeros).reshape(2, _N, _D)
  return _final(agg2, h2, W2, batch2d, rw)

# --- scband reference (transcript-rebuilt; emitter-appended) ---
"""Pipeline reference for scband-rcovginmodel-77541339562356 (READ-ONLY COPY).

The authoritative reference and input builder live on the scoring server;
editing this copy changes nothing except your own understanding.
"""

import jax, jax.numpy as jnp
import numpy as np

N = 10000
E = 320000
D = 128
H = 128
T = 16
G = 128

def setup_inputs(seed: int = 0):
    key = jax.random.key(seed)
    ks = jax.random.split(key, 12)
    x = jax.random.normal(ks[0], (N, D), dtype=jnp.float32)
    edge_index = jax.random.randint(ks[1], (2, E), 0, N, dtype=jnp.int32)
    batch = jnp.sort(jax.random.randint(ks[2], (N,), 0, G, dtype=jnp.int32))
    W0 = jax.random.normal(ks[3], (D, H), dtype=jnp.float32) * 0.05
    W1 = jax.random.normal(ks[4], (H, H), dtype=jnp.float32) * 0.05
    W2 = jax.random.normal(ks[5], (H, H), dtype=jnp.float32) * 0.05
    l0w = jax.random.normal(ks[6], (1, D), dtype=jnp.float32) * 0.05
    l0b = jnp.zeros((D,), dtype=jnp.float32)
    l1w = jax.random.normal(ks[7], (1, H), dtype=jnp.float32) * 0.05
    l1b = jnp.zeros((H,), dtype=jnp.float32)
    l2w = jax.random.normal(ks[8], (1, H), dtype=jnp.float32) * 0.05
    l2b = jnp.zeros((H,), dtype=jnp.float32)
    rw = jax.random.normal(ks[9], (H, T), dtype=jnp.float32) * 0.05
    return {"x": x, "edge_index": edge_index, "batch": batch,
            "W0": W0, "W1": W1, "W2": W2,
            "l0w": l0w, "l0b": l0b, "l1w": l1w, "l1b": l1b,
            "l2w": l2w, "l2b": l2b, "rw": rw}

def _gin_layer(h, edge_index, lw, lb, W, inner_relu):
    # RCOVGINLayer: message = relu(x_j + relu(lin(edge_attr))), aggr='add'
    src = edge_index[0]
    dst = edge_index[1]
    n = h.shape[0]
    edge_att = jnp.ones((edge_index.shape[1], 1), dtype=h.dtype)  # model default when no edge_weight
    e = jax.nn.relu(edge_att @ lw + lb)          # lin: edge_dim -> in_channels
    msg = jax.nn.relu(h[src] + e)                # [E, H] gather on src
    agg = jax.ops.segment_sum(msg, dst, num_segments=n)  # scatter-add on dst
    out = agg + (1.0 + 0.0) * h                  # eps buffer = 0.0
    out = out @ W                                # nn (Linear, bias=False)
    if inner_relu:
        out = jax.nn.relu(out)                   # layer-0 nn is Sequential(Linear, ReLU)
    return out

def reference(x, edge_index, batch, W0, W1, W2, l0w, l0b, l1w, l1b, l2w, l2b, rw):
    h = x
    h = jax.nn.relu(_gin_layer(h, edge_index, l0w, l0b, W0, True))   # self.activation = ReLU
    h = jax.nn.relu(_gin_layer(h, edge_index, l1w, l1b, W1, False))
    h = jax.nn.relu(_gin_layer(h, edge_index, l2w, l2b, W2, False))
    # global_mean_pool
    counts = jax.ops.segment_sum(jnp.ones((h.shape[0],), dtype=h.dtype), batch, num_segments=G)
    sums = jax.ops.segment_sum(h, batch, num_segments=G)
    pooled = sums / jnp.maximum(counts, 1.0)[:, None]
    # readout (Linear, bias=False)
    return pooled @ rw

if __name__ == "__main__":
    import jax
    _d = setup_inputs()
    print(jax.jit(kernel)(*tuple(_d.values())))

</pallas_src>

<mosaic_0001>
#map = affine_map<(d0, d1) -> (0, 0)>
#map1 = affine_map<(d0, d1) -> (0, 0, 0)>
module attributes {stable_mosaic.version = 14 : i64} {
  func.func @body(%arg0: i32, %arg1: i32, %arg2: memref<10000x128xf32, #tpu.memory_space<hbm>>, %arg3: memref<32x125x80xi32, #tpu.memory_space<hbm>>, %arg4: memref<32x125x80xi32, #tpu.memory_space<hbm>>, %arg5: memref<10000x128xf32, #tpu.memory_space<hbm>>, %arg6: memref<20000x128xf32, #tpu.memory_space<hbm>>, %arg7: memref<125x80xi32, #tpu.memory_space<vmem>>, %arg8: memref<125x80xi32, #tpu.memory_space<vmem>>, %arg9: memref<80x128xf32, #tpu.memory_space<vmem>>, %arg10: memref<10000x128xf32, #tpu.memory_space<vmem_shared>>, %arg11: memref<!tpu.dma_semaphore, #tpu.memory_space<semaphore_mem>>) attributes {dimension_semantics = [#tpu.dimension_semantics<core_parallel>, #tpu.dimension_semantics<subcore_parallel>], iteration_bounds = array<i64: 2, 16>, scalar_prefetch = 0 : i64, scratch_operands = 5 : i64, tpu.core_type = #tpu.core_type<sc_vector_subcore>, window_params = [{transform_indices = #map}, {transform_indices = #map1}, {transform_indices = #map1}, {transform_indices = #map}, {transform_indices = #map}]} {
    %mul3A = arith.constant 16 : i32
    %mul3A_0 = arith.muli %arg0, %mul3A : i32
    %add3A = arith.addi %mul3A_0, %arg1 : i32
    %lt3A = arith.constant 15 : i32
    %lt3A_1 = arith.cmpi slt, %arg1, %lt3A : i32
    %convert_element_type3A = arith.extui %lt3A_1 : i1 to i32
    %cond3A = arith.constant 0 : i32
    %cond3A_2 = arith.cmpi ne, %convert_element_type3A, %cond3A : i32
    scf.if %cond3A_2 {
      %mul3A_23 = arith.constant 640 : i32
      %mul3A_24 = arith.muli %arg1, %mul3A_23 : i32
      %mul3A_25 = arith.constant 640 : i32
      %mul3A_26 = arith.muli %arg1, %mul3A_25 : i32
      "tpu.region"() ({
        %run_scoped3A = tpu.sem_alloc : memref<!tpu.dma_semaphore, #tpu.memory_space<semaphore_mem>>
        %dma_start3A = arith.constant 0 : i32
        %dma_start3A_27 = tpu.memref_slice %arg10[%mul3A_26, %dma_start3A] : memref<10000x128xf32, #tpu.memory_space<vmem_shared>> -> memref<640x128xf32, #tpu.memory_space<vmem_shared>>
        %dma_start3A_28 = arith.constant 0 : i32
        %dma_start3A_29 = tpu.memref_slice %arg5[%mul3A_24, %dma_start3A_28] : memref<10000x128xf32, #tpu.memory_space<hbm>> -> memref<640x128xf32, #tpu.memory_space<hbm>>
        tpu.enqueue_dma source(%dma_start3A_29 : memref<640x128xf32, #tpu.memory_space<hbm>>) target(%dma_start3A_27 : memref<640x128xf32, #tpu.memory_space<vmem_shared>>) target_semaphore(%run_scoped3A : memref<!tpu.dma_semaphore, #tpu.memory_space<semaphore_mem>>)
        %dma_wait3A = arith.constant 0 : i32
        %dma_wait3A_30 = tpu.memref_slice %arg10[%mul3A_26, %dma_wait3A] : memref<10000x128xf32, #tpu.memory_space<vmem_shared>> -> memref<640x128xf32, #tpu.memory_space<vmem_shared>>
        %dma_wait3A_31 = arith.constant 0 : i32
        %dma_wait3A_32 = tpu.memref_slice %arg5[%mul3A_24, %dma_wait3A_31] : memref<10000x128xf32, #tpu.memory_space<hbm>> -> memref<640x128xf32, #tpu.memory_space<hbm>>
        tpu.wait_dma2 semaphore(%run_scoped3A : memref<!tpu.dma_semaphore, #tpu.memory_space<semaphore_mem>>) src(%dma_wait3A_32 : memref<640x128xf32, #tpu.memory_space<hbm>>) dst(%dma_wait3A_30 : memref<640x128xf32, #tpu.memory_space<vmem_shared>>)
        tpu.yield
      }) : () -> ()
    } else {
    }
    %eq3A = arith.constant 15 : i32
    %eq3A_3 = arith.cmpi eq, %arg1, %eq3A : i32
    %convert_element_type3A_4 = arith.extui %eq3A_3 : i1 to i32
    %cond3A_5 = arith.constant 0 : i32
    %cond3A_6 = arith.cmpi ne, %convert_element_type3A_4, %cond3A_5 : i32
    scf.if %cond3A_6 {
      "tpu.region"() ({
        %run_scoped3A = tpu.sem_alloc : memref<!tpu.dma_semaphore, #tpu.memory_space<semaphore_mem>>
        %dma_start3A = arith.constant 9600 : i32
        %dma_start3A_23 = arith.constant 0 : i32
        %dma_start3A_24 = tpu.memref_slice %arg10[%dma_start3A, %dma_start3A_23] : memref<10000x128xf32, #tpu.memory_space<vmem_shared>> -> memref<400x128xf32, #tpu.memory_space<vmem_shared>>
        %dma_start3A_25 = arith.constant 9600 : i32
        %dma_start3A_26 = arith.constant 0 : i32
        %dma_start3A_27 = tpu.memref_slice %arg5[%dma_start3A_25, %dma_start3A_26] : memref<10000x128xf32, #tpu.memory_space<hbm>> -> memref<400x128xf32, #tpu.memory_space<hbm>>
        tpu.enqueue_dma source(%dma_start3A_27 : memref<400x128xf32, #tpu.memory_space<hbm>>) target(%dma_start3A_24 : memref<400x128xf32, #tpu.memory_space<vmem_shared>>) target_semaphore(%run_scoped3A : memref<!tpu.dma_semaphore, #tpu.memory_space<semaphore_mem>>)
        %dma_wait3A = arith.constant 9600 : i32
        %dma_wait3A_28 = arith.constant 0 : i32
        %dma_wait3A_29 = tpu.memref_slice %arg10[%dma_wait3A, %dma_wait3A_28] : memref<10000x128xf32, #tpu.memory_space<vmem_shared>> -> memref<400x128xf32, #tpu.memory_space<vmem_shared>>
        %dma_wait3A_30 = arith.constant 9600 : i32
        %dma_wait3A_31 = arith.constant 0 : i32
        %dma_wait3A_32 = tpu.memref_slice %arg5[%dma_wait3A_30, %dma_wait3A_31] : memref<10000x128xf32, #tpu.memory_space<hbm>> -> memref<400x128xf32, #tpu.memory_space<hbm>>
        tpu.wait_dma2 semaphore(%run_scoped3A : memref<!tpu.dma_semaphore, #tpu.memory_space<semaphore_mem>>) src(%dma_wait3A_32 : memref<400x128xf32, #tpu.memory_space<hbm>>) dst(%dma_wait3A_29 : memref<400x128xf32, #tpu.memory_space<vmem_shared>>)
        tpu.yield
      }) : () -> ()
    } else {
    }
    "tpu.region"() ({
      %run_scoped3A = tpu.sem_alloc : memref<!tpu.dma_semaphore, #tpu.memory_space<semaphore_mem>>
      %dma_start3A = arith.constant 0 : i32
      %dma_start3A_23 = arith.constant 0 : i32
      %dma_start3A_24 = tpu.memref_slice %arg3[%add3A, %dma_start3A, %dma_start3A_23] : memref<32x125x80xi32, #tpu.memory_space<hbm>> -> memref<1x125x80xi32, #tpu.memory_space<hbm>>
      %dma_start3A_25 = tpu.memref_squeeze %dma_start3A_24 : memref<1x125x80xi32, #tpu.memory_space<hbm>> -> memref<125x80xi32, #tpu.memory_space<hbm>>
      %dma_start3A_26 = arith.constant 0 : i32
      %dma_start3A_27 = arith.constant 0 : i32
      %dma_start3A_28 = tpu.memref_slice %arg3[%add3A, %dma_start3A_26, %dma_start3A_27] : memref<32x125x80xi32, #tpu.memory_space<hbm>> -> memref<1x125x80xi32, #tpu.memory_space<hbm>>
      %dma_start3A_29 = tpu.memref_squeeze %dma_start3A_28 : memref<1x125x80xi32, #tpu.memory_space<hbm>> -> memref<125x80xi32, #tpu.memory_space<hbm>>
      tpu.enqueue_dma source(%dma_start3A_29 : memref<125x80xi32, #tpu.memory_space<hbm>>) target(%arg7 : memref<125x80xi32, #tpu.memory_space<vmem>>) target_semaphore(%run_scoped3A : memref<!tpu.dma_semaphore, #tpu.memory_space<semaphore_mem>>)
      %dma_wait3A = arith.constant 0 : i32
      %dma_wait3A_30 = arith.constant 0 : i32
      %dma_wait3A_31 = tpu.memref_slice %arg3[%add3A, %dma_wait3A, %dma_wait3A_30] : memref<32x125x80xi32, #tpu.memory_space<hbm>> -> memref<1x125x80xi32, #tpu.memory_space<hbm>>
      %dma_wait3A_32 = tpu.memref_squeeze %dma_wait3A_31 : memref<1x125x80xi32, #tpu.memory_space<hbm>> -> memref<125x80xi32, #tpu.memory_space<hbm>>
      %dma_wait3A_33 = arith.constant 0 : i32
      %dma_wait3A_34 = arith.constant 0 : i32
      %dma_wait3A_35 = tpu.memref_slice %arg3[%add3A, %dma_wait3A_33, %dma_wait3A_34] : memref<32x125x80xi32, #tpu.memory_space<hbm>> -> memref<1x125x80xi32, #tpu.memory_space<hbm>>
      %dma_wait3A_36 = tpu.memref_squeeze %dma_wait3A_35 : memref<1x125x80xi32, #tpu.memory_space<hbm>> -> memref<125x80xi32, #tpu.memory_space<hbm>>
      tpu.wait_dma2 semaphore(%run_scoped3A : memref<!tpu.dma_semaphore, #tpu.memory_space<semaphore_mem>>) src(%dma_wait3A_36 : memref<125x80xi32, #tpu.memory_space<hbm>>) dst(%arg7 : memref<125x80xi32, #tpu.memory_space<vmem>>)
      tpu.yield
    }) : () -> ()
    "tpu.region"() ({
      %run_scoped3A = tpu.sem_alloc : memref<!tpu.dma_semaphore, #tpu.memory_space<semaphore_mem>>
      %dma_start3A = arith.constant 0 : i32
      %dma_start3A_23 = arith.constant 0 : i32
      %dma_start3A_24 = tpu.memref_slice %arg4[%add3A, %dma_start3A, %dma_start3A_23] : memref<32x125x80xi32, #tpu.memory_space<hbm>> -> memref<1x125x80xi32, #tpu.memory_space<hbm>>
      %dma_start3A_25 = tpu.memref_squeeze %dma_start3A_24 : memref<1x125x80xi32, #tpu.memory_space<hbm>> -> memref<125x80xi32, #tpu.memory_space<hbm>>
      %dma_start3A_26 = arith.constant 0 : i32
      %dma_start3A_27 = arith.constant 0 : i32
      %dma_start3A_28 = tpu.memref_slice %arg4[%add3A, %dma_start3A_26, %dma_start3A_27] : memref<32x125x80xi32, #tpu.memory_space<hbm>> -> memref<1x125x80xi32, #tpu.memory_space<hbm>>
      %dma_start3A_29 = tpu.memref_squeeze %dma_start3A_28 : memref<1x125x80xi32, #tpu.memory_space<hbm>> -> memref<125x80xi32, #tpu.memory_space<hbm>>
      tpu.enqueue_dma source(%dma_start3A_29 : memref<125x80xi32, #tpu.memory_space<hbm>>) target(%arg8 : memref<125x80xi32, #tpu.memory_space<vmem>>) target_semaphore(%run_scoped3A : memref<!tpu.dma_semaphore, #tpu.memory_space<semaphore_mem>>)
      %dma_wait3A = arith.constant 0 : i32
      %dma_wait3A_30 = arith.constant 0 : i32
      %dma_wait3A_31 = tpu.memref_slice %arg4[%add3A, %dma_wait3A, %dma_wait3A_30] : memref<32x125x80xi32, #tpu.memory_space<hbm>> -> memref<1x125x80xi32, #tpu.memory_space<hbm>>
      %dma_wait3A_32 = tpu.memref_squeeze %dma_wait3A_31 : memref<1x125x80xi32, #tpu.memory_space<hbm>> -> memref<125x80xi32, #tpu.memory_space<hbm>>
      %dma_wait3A_33 = arith.constant 0 : i32
      %dma_wait3A_34 = arith.constant 0 : i32
      %dma_wait3A_35 = tpu.memref_slice %arg4[%add3A, %dma_wait3A_33, %dma_wait3A_34] : memref<32x125x80xi32, #tpu.memory_space<hbm>> -> memref<1x125x80xi32, #tpu.memory_space<hbm>>
      %dma_wait3A_36 = tpu.memref_squeeze %dma_wait3A_35 : memref<1x125x80xi32, #tpu.memory_space<hbm>> -> memref<125x80xi32, #tpu.memory_space<hbm>>
      tpu.wait_dma2 semaphore(%run_scoped3A : memref<!tpu.dma_semaphore, #tpu.memory_space<semaphore_mem>>) src(%dma_wait3A_36 : memref<125x80xi32, #tpu.memory_space<hbm>>) dst(%arg8 : memref<125x80xi32, #tpu.memory_space<vmem>>)
      tpu.yield
    }) : () -> ()
    %barrier3A = arith.constant 0 : index
    tpu.barrier barrier_id(%barrier3A)
    %scan3A = arith.constant 0 : i32
    %scan3A_7 = arith.constant 0 : i32
    %scan3A_8 = arith.constant 125 : i32
    %scan3A_9 = arith.addi %scan3A_7, %scan3A_8 : i32
    %scan3A_10 = arith.constant 1 : i32
    scf.for %scan3A_23 = %scan3A_7 to %scan3A_9 step %scan3A_10  : i32 {
      %dma_start3A = arith.constant 0 : i32
      %dma_start3A_24 = tpu.memref_slice %arg7[%scan3A_23, %dma_start3A] : memref<125x80xi32, #tpu.memory_space<vmem>> -> memref<1x80xi32, #tpu.memory_space<vmem>>
      %dma_start3A_25 = tpu.memref_squeeze %dma_start3A_24 : memref<1x80xi32, #tpu.memory_space<vmem>> -> memref<80xi32, #tpu.memory_space<vmem>>
      %dma_start3A_26 = arith.constant 0 : i32
      %dma_start3A_27 = arith.constant 0 : i32
      %dma_start3A_28 = tpu.memref_slice %arg2[%dma_start3A_26, %dma_start3A_27] : memref<10000x128xf32, #tpu.memory_space<hbm>> -> memref<10000x128xf32, #tpu.memory_space<hbm>>
      tpu.enqueue_indirect_dma source(%dma_start3A_28 : memref<10000x128xf32, #tpu.memory_space<hbm>>) target(%arg9 : memref<80x128xf32, #tpu.memory_space<vmem>>) offsets(%dma_start3A_25 : memref<80xi32, #tpu.memory_space<vmem>>) semaphore(%arg11 : memref<!tpu.dma_semaphore, #tpu.memory_space<semaphore_mem>>)
      %dma_wait3A = arith.constant 0 : i32
      %dma_wait3A_29 = tpu.memref_slice %arg7[%scan3A_23, %dma_wait3A] : memref<125x80xi32, #tpu.memory_space<vmem>> -> memref<1x80xi32, #tpu.memory_space<vmem>>
      %dma_wait3A_30 = tpu.memref_squeeze %dma_wait3A_29 : memref<1x80xi32, #tpu.memory_space<vmem>> -> memref<80xi32, #tpu.memory_space<vmem>>
      %dma_wait3A_31 = arith.constant 0 : i32
      %dma_wait3A_32 = arith.constant 0 : i32
      %dma_wait3A_33 = tpu.memref_slice %arg2[%dma_wait3A_31, %dma_wait3A_32] : memref<10000x128xf32, #tpu.memory_space<hbm>> -> memref<10000x128xf32, #tpu.memory_space<hbm>>
      tpu.wait_indirect_dma semaphore(%arg11 : memref<!tpu.dma_semaphore, #tpu.memory_space<semaphore_mem>>) src(%dma_wait3A_33 : memref<10000x128xf32, #tpu.memory_space<hbm>>) dst(%arg9 : memref<80x128xf32, #tpu.memory_space<vmem>>)
      "tpu.region"() ({
        %run_scoped3A = tpu.sem_alloc : memref<!tpu.dma_semaphore, #tpu.memory_space<semaphore_mem>>
        %dma_start3A_34 = arith.constant 0 : i32
        %dma_start3A_35 = tpu.memref_slice %arg8[%scan3A_23, %dma_start3A_34] : memref<125x80xi32, #tpu.memory_space<vmem>> -> memref<1x80xi32, #tpu.memory_space<vmem>>
        %dma_start3A_36 = tpu.memref_squeeze %dma_start3A_35 : memref<1x80xi32, #tpu.memory_space<vmem>> -> memref<80xi32, #tpu.memory_space<vmem>>
        %dma_start3A_37 = arith.constant 0 : i32
        %dma_start3A_38 = arith.constant 0 : i32
        %dma_start3A_39 = tpu.memref_slice %arg10[%dma_start3A_37, %dma_start3A_38] : memref<10000x128xf32, #tpu.memory_space<vmem_shared>> -> memref<10000x128xf32, #tpu.memory_space<vmem_shared>>
        tpu.enqueue_indirect_dma source(%arg9 : memref<80x128xf32, #tpu.memory_space<vmem>>) target(%dma_start3A_39 : memref<10000x128xf32, #tpu.memory_space<vmem_shared>>) offsets(%dma_start3A_36 : memref<80xi32, #tpu.memory_space<vmem>>) semaphore(%run_scoped3A : memref<!tpu.dma_semaphore, #tpu.memory_space<semaphore_mem>>) {add = true}
        %dma_wait3A_40 = arith.constant 0 : i32
        %dma_wait3A_41 = tpu.memref_slice %arg8[%scan3A_23, %dma_wait3A_40] : memref<125x80xi32, #tpu.memory_space<vmem>> -> memref<1x80xi32, #tpu.memory_space<vmem>>
        %dma_wait3A_42 = tpu.memref_squeeze %dma_wait3A_41 : memref<1x80xi32, #tpu.memory_space<vmem>> -> memref<80xi32, #tpu.memory_space<vmem>>
        %dma_wait3A_43 = arith.constant 0 : i32
        %dma_wait3A_44 = arith.constant 0 : i32
        %dma_wait3A_45 = tpu.memref_slice %arg10[%dma_wait3A_43, %dma_wait3A_44] : memref<10000x128xf32, #tpu.memory_space<vmem_shared>> -> memref<10000x128xf32, #tpu.memory_space<vmem_shared>>
        tpu.wait_indirect_dma semaphore(%run_scoped3A : memref<!tpu.dma_semaphore, #tpu.memory_space<semaphore_mem>>) src(%arg9 : memref<80x128xf32, #tpu.memory_space<vmem>>) dst(%dma_wait3A_45 : memref<10000x128xf32, #tpu.memory_space<vmem_shared>>)
        tpu.yield
      }) : () -> ()
    }
    %scan3A_11 = arith.constant 125 : i32
    %barrier3A_12 = arith.constant 0 : index
    tpu.barrier barrier_id(%barrier3A_12)
    %lt3A_13 = arith.constant 15 : i32
    %lt3A_14 = arith.cmpi slt, %arg1, %lt3A_13 : i32
    %convert_element_type3A_15 = arith.extui %lt3A_14 : i1 to i32
    %cond3A_16 = arith.constant 0 : i32
    %cond3A_17 = arith.cmpi ne, %convert_element_type3A_15, %cond3A_16 : i32
    scf.if %cond3A_17 {
      %mul3A_23 = arith.constant 640 : i32
      %mul3A_24 = arith.muli %arg1, %mul3A_23 : i32
      %mul3A_25 = arith.constant 10000 : i32
      %mul3A_26 = arith.muli %arg0, %mul3A_25 : i32
      %mul3A_27 = arith.constant 640 : i32
      %mul3A_28 = arith.muli %arg1, %mul3A_27 : i32
      %add3A_29 = arith.addi %mul3A_26, %mul3A_28 : i32
      "tpu.region"() ({
        %run_scoped3A = tpu.sem_alloc : memref<!tpu.dma_semaphore, #tpu.memory_space<semaphore_mem>>
        %dma_start3A = arith.constant 0 : i32
        %dma_start3A_30 = tpu.memref_slice %arg6[%add3A_29, %dma_start3A] : memref<20000x128xf32, #tpu.memory_space<hbm>> -> memref<640x128xf32, #tpu.memory_space<hbm>>
        %dma_start3A_31 = arith.constant 0 : i32
        %dma_start3A_32 = tpu.memref_slice %arg10[%mul3A_24, %dma_start3A_31] : memref<10000x128xf32, #tpu.memory_space<vmem_shared>> -> memref<640x128xf32, #tpu.memory_space<vmem_shared>>
        tpu.enqueue_dma source(%dma_start3A_32 : memref<640x128xf32, #tpu.memory_space<vmem_shared>>) target(%dma_start3A_30 : memref<640x128xf32, #tpu.memory_space<hbm>>) target_semaphore(%run_scoped3A : memref<!tpu.dma_semaphore, #tpu.memory_space<semaphore_mem>>)
        %dma_wait3A = arith.constant 0 : i32
        %dma_wait3A_33 = tpu.memref_slice %arg6[%add3A_29, %dma_wait3A] : memref<20000x128xf32, #tpu.memory_space<hbm>> -> memref<640x128xf32, #tpu.memory_space<hbm>>
        %dma_wait3A_34 = arith.constant 0 : i32
        %dma_wait3A_35 = tpu.memref_slice %arg10[%mul3A_24, %dma_wait3A_34] : memref<10000x128xf32, #tpu.memory_space<vmem_shared>> -> memref<640x128xf32, #tpu.memory_space<vmem_shared>>
        tpu.wait_dma2 semaphore(%run_scoped3A : memref<!tpu.dma_semaphore, #tpu.memory_space<semaphore_mem>>) src(%dma_wait3A_35 : memref<640x128xf32, #tpu.memory_space<vmem_shared>>) dst(%dma_wait3A_33 : memref<640x128xf32, #tpu.memory_space<hbm>>)
        tpu.yield
      }) : () -> ()
    } else {
    }
    %eq3A_18 = arith.constant 15 : i32
    %eq3A_19 = arith.cmpi eq, %arg1, %eq3A_18 : i32
    %convert_element_type3A_20 = arith.extui %eq3A_19 : i1 to i32
    %cond3A_21 = arith.constant 0 : i32
    %cond3A_22 = arith.cmpi ne, %convert_element_type3A_20, %cond3A_21 : i32
    scf.if %cond3A_22 {
      %mul3A_23 = arith.constant 10000 : i32
      %mul3A_24 = arith.muli %arg0, %mul3A_23 : i32
      %add3A_25 = arith.constant 9600 : i32
      %add3A_26 = arith.addi %mul3A_24, %add3A_25 : i32
      "tpu.region"() ({
        %run_scoped3A = tpu.sem_alloc : memref<!tpu.dma_semaphore, #tpu.memory_space<semaphore_mem>>
        %dma_start3A = arith.constant 0 : i32
        %dma_start3A_27 = tpu.memref_slice %arg6[%add3A_26, %dma_start3A] : memref<20000x128xf32, #tpu.memory_space<hbm>> -> memref<400x128xf32, #tpu.memory_space<hbm>>
        %dma_start3A_28 = arith.constant 9600 : i32
        %dma_start3A_29 = arith.constant 0 : i32
        %dma_start3A_30 = tpu.memref_slice %arg10[%dma_start3A_28, %dma_start3A_29] : memref<10000x128xf32, #tpu.memory_space<vmem_shared>> -> memref<400x128xf32, #tpu.memory_space<vmem_shared>>
        tpu.enqueue_dma source(%dma_start3A_30 : memref<400x128xf32, #tpu.memory_space<vmem_shared>>) target(%dma_start3A_27 : memref<400x128xf32, #tpu.memory_space<hbm>>) target_semaphore(%run_scoped3A : memref<!tpu.dma_semaphore, #tpu.memory_space<semaphore_mem>>)
        %dma_wait3A = arith.constant 0 : i32
        %dma_wait3A_31 = tpu.memref_slice %arg6[%add3A_26, %dma_wait3A] : memref<20000x128xf32, #tpu.memory_space<hbm>> -> memref<400x128xf32, #tpu.memory_space<hbm>>
        %dma_wait3A_32 = arith.constant 9600 : i32
        %dma_wait3A_33 = arith.constant 0 : i32
        %dma_wait3A_34 = tpu.memref_slice %arg10[%dma_wait3A_32, %dma_wait3A_33] : memref<10000x128xf32, #tpu.memory_space<vmem_shared>> -> memref<400x128xf32, #tpu.memory_space<vmem_shared>>
        tpu.wait_dma2 semaphore(%run_scoped3A : memref<!tpu.dma_semaphore, #tpu.memory_space<semaphore_mem>>) src(%dma_wait3A_34 : memref<400x128xf32, #tpu.memory_space<vmem_shared>>) dst(%dma_wait3A_31 : memref<400x128xf32, #tpu.memory_space<hbm>>)
        tpu.yield
      }) : () -> ()
    } else {
    }
    return
  }
}

#map = affine_map<(d0, d1) -> (0, 0)>
#map1 = affine_map<(d0, d1) -> (0, 0, 0)>
module attributes {stable_mosaic.version = 14 : i64} {
  func.func @body(%arg0: i32, %arg1: i32, %arg2: memref<10000x128xf32, #tpu.memory_space<hbm>>, %arg3: memref<32x125x80xi32, #tpu.memory_space<hbm>>, %arg4: memref<32x125x80xi32, #tpu.memory_space<hbm>>, %arg5: memref<10000x128xf32, #tpu.memory_space<hbm>>, %arg6: memref<20000x128xf32, #tpu.memory_space<hbm>>, %arg7: memref<125x80xi32, #tpu.memory_space<vmem>>, %arg8: memref<125x80xi32, #tpu.memory_space<vmem>>, %arg9: memref<80x128xf32, #tpu.memory_space<vmem>>, %arg10: memref<10000x128xf32, #tpu.memory_space<vmem_shared>>, %arg11: memref<!tpu.dma_semaphore, #tpu.memory_space<semaphore_mem>>) attributes {dimension_semantics = [#tpu.dimension_semantics<core_parallel>, #tpu.dimension_semantics<subcore_parallel>], iteration_bounds = array<i64: 2, 16>, scalar_prefetch = 0 : i64, scratch_operands = 5 : i64, tpu.core_type = #tpu.core_type<sc_vector_subcore>, window_params = [{transform_indices = #map}, {transform_indices = #map1}, {transform_indices = #map1}, {transform_indices = #map}, {transform_indices = #map}]} {
    %mul3A = arith.constant 16 : i32
    %mul3A_0 = arith.muli %arg0, %mul3A : i32
    %add3A = arith.addi %mul3A_0, %arg1 : i32
    %lt3A = arith.constant 15 : i32
    %lt3A_1 = arith.cmpi slt, %arg1, %lt3A : i32
    %convert_element_type3A = arith.extui %lt3A_1 : i1 to i32
    %cond3A = arith.constant 0 : i32
    %cond3A_2 = arith.cmpi ne, %convert_element_type3A, %cond3A : i32
    scf.if %cond3A_2 {
      %mul3A_23 = arith.constant 640 : i32
      %mul3A_24 = arith.muli %arg1, %mul3A_23 : i32
      %mul3A_25 = arith.constant 640 : i32
      %mul3A_26 = arith.muli %arg1, %mul3A_25 : i32
      "tpu.region"() ({
        %run_scoped3A = tpu.sem_alloc : memref<!tpu.dma_semaphore, #tpu.memory_space<semaphore_mem>>
        %dma_start3A = arith.constant 0 : i32
        %dma_start3A_27 = tpu.memref_slice %arg10[%mul3A_26, %dma_start3A] : memref<10000x128xf32, #tpu.memory_space<vmem_shared>> -> memref<640x128xf32, #tpu.memory_space<vmem_shared>>
        %dma_start3A_28 = arith.constant 0 : i32
        %dma_start3A_29 = tpu.memref_slice %arg5[%mul3A_24, %dma_start3A_28] : memref<10000x128xf32, #tpu.memory_space<hbm>> -> memref<640x128xf32, #tpu.memory_space<hbm>>
        tpu.enqueue_dma source(%dma_start3A_29 : memref<640x128xf32, #tpu.memory_space<hbm>>) target(%dma_start3A_27 : memref<640x128xf32, #tpu.memory_space<vmem_shared>>) target_semaphore(%run_scoped3A : memref<!tpu.dma_semaphore, #tpu.memory_space<semaphore_mem>>)
        %dma_wait3A = arith.constant 0 : i32
        %dma_wait3A_30 = tpu.memref_slice %arg10[%mul3A_26, %dma_wait3A] : memref<10000x128xf32, #tpu.memory_space<vmem_shared>> -> memref<640x128xf32, #tpu.memory_space<vmem_shared>>
        %dma_wait3A_31 = arith.constant 0 : i32
        %dma_wait3A_32 = tpu.memref_slice %arg5[%mul3A_24, %dma_wait3A_31] : memref<10000x128xf32, #tpu.memory_space<hbm>> -> memref<640x128xf32, #tpu.memory_space<hbm>>
        tpu.wait_dma2 semaphore(%run_scoped3A : memref<!tpu.dma_semaphore, #tpu.memory_space<semaphore_mem>>) src(%dma_wait3A_32 : memref<640x128xf32, #tpu.memory_space<hbm>>) dst(%dma_wait3A_30 : memref<640x128xf32, #tpu.memory_space<vmem_shared>>)
        tpu.yield
      }) : () -> ()
    } else {
    }
    %eq3A = arith.constant 15 : i32
    %eq3A_3 = arith.cmpi eq, %arg1, %eq3A : i32
    %convert_element_type3A_4 = arith.extui %eq3A_3 : i1 to i32
    %cond3A_5 = arith.constant 0 : i32
    %cond3A_6 = arith.cmpi ne, %convert_element_type3A_4, %cond3A_5 : i32
    scf.if %cond3A_6 {
      "tpu.region"() ({
        %run_scoped3A = tpu.sem_alloc : memref<!tpu.dma_semaphore, #tpu.memory_space<semaphore_mem>>
        %dma_start3A = arith.constant 9600 : i32
        %dma_start3A_23 = arith.constant 0 : i32
        %dma_start3A_24 = tpu.memref_slice %arg10[%dma_start3A, %dma_start3A_23] : memref<10000x128xf32, #tpu.memory_space<vmem_shared>> -> memref<400x128xf32, #tpu.memory_space<vmem_shared>>
        %dma_start3A_25 = arith.constant 9600 : i32
        %dma_start3A_26 = arith.constant 0 : i32
        %dma_start3A_27 = tpu.memref_slice %arg5[%dma_start3A_25, %dma_start3A_26] : memref<10000x128xf32, #tpu.memory_space<hbm>> -> memref<400x128xf32, #tpu.memory_space<hbm>>
        tpu.enqueue_dma source(%dma_start3A_27 : memref<400x128xf32, #tpu.memory_space<hbm>>) target(%dma_start3A_24 : memref<400x128xf32, #tpu.memory_space<vmem_shared>>) target_semaphore(%run_scoped3A : memref<!tpu.dma_semaphore, #tpu.memory_space<semaphore_mem>>)
        %dma_wait3A = arith.constant 9600 : i32
        %dma_wait3A_28 = arith.constant 0 : i32
        %dma_wait3A_29 = tpu.memref_slice %arg10[%dma_wait3A, %dma_wait3A_28] : memref<10000x128xf32, #tpu.memory_space<vmem_shared>> -> memref<400x128xf32, #tpu.memory_space<vmem_shared>>
        %dma_wait3A_30 = arith.constant 9600 : i32
        %dma_wait3A_31 = arith.constant 0 : i32
        %dma_wait3A_32 = tpu.memref_slice %arg5[%dma_wait3A_30, %dma_wait3A_31] : memref<10000x128xf32, #tpu.memory_space<hbm>> -> memref<400x128xf32, #tpu.memory_space<hbm>>
        tpu.wait_dma2 semaphore(%run_scoped3A : memref<!tpu.dma_semaphore, #tpu.memory_space<semaphore_mem>>) src(%dma_wait3A_32 : memref<400x128xf32, #tpu.memory_space<hbm>>) dst(%dma_wait3A_29 : memref<400x128xf32, #tpu.memory_space<vmem_shared>>)
        tpu.yield
      }) : () -> ()
    } else {
    }
    "tpu.region"() ({
      %run_scoped3A = tpu.sem_alloc : memref<!tpu.dma_semaphore, #tpu.memory_space<semaphore_mem>>
      %dma_start3A = arith.constant 0 : i32
      %dma_start3A_23 = arith.constant 0 : i32
      %dma_start3A_24 = tpu.memref_slice %arg3[%add3A, %dma_start3A, %dma_start3A_23] : memref<32x125x80xi32, #tpu.memory_space<hbm>> -> memref<1x125x80xi32, #tpu.memory_space<hbm>>
      %dma_start3A_25 = tpu.memref_squeeze %dma_start3A_24 : memref<1x125x80xi32, #tpu.memory_space<hbm>> -> memref<125x80xi32, #tpu.memory_space<hbm>>
      %dma_start3A_26 = arith.constant 0 : i32
      %dma_start3A_27 = arith.constant 0 : i32
      %dma_start3A_28 = tpu.memref_slice %arg3[%add3A, %dma_start3A_26, %dma_start3A_27] : memref<32x125x80xi32, #tpu.memory_space<hbm>> -> memref<1x125x80xi32, #tpu.memory_space<hbm>>
      %dma_start3A_29 = tpu.memref_squeeze %dma_start3A_28 : memref<1x125x80xi32, #tpu.memory_space<hbm>> -> memref<125x80xi32, #tpu.memory_space<hbm>>
      tpu.enqueue_dma source(%dma_start3A_29 : memref<125x80xi32, #tpu.memory_space<hbm>>) target(%arg7 : memref<125x80xi32, #tpu.memory_space<vmem>>) target_semaphore(%run_scoped3A : memref<!tpu.dma_semaphore, #tpu.memory_space<semaphore_mem>>)
      %dma_wait3A = arith.constant 0 : i32
      %dma_wait3A_30 = arith.constant 0 : i32
      %dma_wait3A_31 = tpu.memref_slice %arg3[%add3A, %dma_wait3A, %dma_wait3A_30] : memref<32x125x80xi32, #tpu.memory_space<hbm>> -> memref<1x125x80xi32, #tpu.memory_space<hbm>>
      %dma_wait3A_32 = tpu.memref_squeeze %dma_wait3A_31 : memref<1x125x80xi32, #tpu.memory_space<hbm>> -> memref<125x80xi32, #tpu.memory_space<hbm>>
      %dma_wait3A_33 = arith.constant 0 : i32
      %dma_wait3A_34 = arith.constant 0 : i32
      %dma_wait3A_35 = tpu.memref_slice %arg3[%add3A, %dma_wait3A_33, %dma_wait3A_34] : memref<32x125x80xi32, #tpu.memory_space<hbm>> -> memref<1x125x80xi32, #tpu.memory_space<hbm>>
      %dma_wait3A_36 = tpu.memref_squeeze %dma_wait3A_35 : memref<1x125x80xi32, #tpu.memory_space<hbm>> -> memref<125x80xi32, #tpu.memory_space<hbm>>
      tpu.wait_dma2 semaphore(%run_scoped3A : memref<!tpu.dma_semaphore, #tpu.memory_space<semaphore_mem>>) src(%dma_wait3A_36 : memref<125x80xi32, #tpu.memory_space<hbm>>) dst(%arg7 : memref<125x80xi32, #tpu.memory_space<vmem>>)
      tpu.yield
    }) : () -> ()
    "tpu.region"() ({
      %run_scoped3A = tpu.sem_alloc : memref<!tpu.dma_semaphore, #tpu.memory_space<semaphore_mem>>
      %dma_start3A = arith.constant 0 : i32
      %dma_start3A_23 = arith.constant 0 : i32
      %dma_start3A_24 = tpu.memref_slice %arg4[%add3A, %dma_start3A, %dma_start3A_23] : memref<32x125x80xi32, #tpu.memory_space<hbm>> -> memref<1x125x80xi32, #tpu.memory_space<hbm>>
      %dma_start3A_25 = tpu.memref_squeeze %dma_start3A_24 : memref<1x125x80xi32, #tpu.memory_space<hbm>> -> memref<125x80xi32, #tpu.memory_space<hbm>>
      %dma_start3A_26 = arith.constant 0 : i32
      %dma_start3A_27 = arith.constant 0 : i32
      %dma_start3A_28 = tpu.memref_slice %arg4[%add3A, %dma_start3A_26, %dma_start3A_27] : memref<32x125x80xi32, #tpu.memory_space<hbm>> -> memref<1x125x80xi32, #tpu.memory_space<hbm>>
      %dma_start3A_29 = tpu.memref_squeeze %dma_start3A_28 : memref<1x125x80xi32, #tpu.memory_space<hbm>> -> memref<125x80xi32, #tpu.memory_space<hbm>>
      tpu.enqueue_dma source(%dma_start3A_29 : memref<125x80xi32, #tpu.memory_space<hbm>>) target(%arg8 : memref<125x80xi32, #tpu.memory_space<vmem>>) target_semaphore(%run_scoped3A : memref<!tpu.dma_semaphore, #tpu.memory_space<semaphore_mem>>)
      %dma_wait3A = arith.constant 0 : i32
      %dma_wait3A_30 = arith.constant 0 : i32
      %dma_wait3A_31 = tpu.memref_slice %arg4[%add3A, %dma_wait3A, %dma_wait3A_30] : memref<32x125x80xi32, #tpu.memory_space<hbm>> -> memref<1x125x80xi32, #tpu.memory_space<hbm>>
      %dma_wait3A_32 = tpu.memref_squeeze %dma_wait3A_31 : memref<1x125x80xi32, #tpu.memory_space<hbm>> -> memref<125x80xi32, #tpu.memory_space<hbm>>
      %dma_wait3A_33 = arith.constant 0 : i32
      %dma_wait3A_34 = arith.constant 0 : i32
      %dma_wait3A_35 = tpu.memref_slice %arg4[%add3A, %dma_wait3A_33, %dma_wait3A_34] : memref<32x125x80xi32, #tpu.memory_space<hbm>> -> memref<1x125x80xi32, #tpu.memory_space<hbm>>
      %dma_wait3A_36 = tpu.memref_squeeze %dma_wait3A_35 : memref<1x125x80xi32, #tpu.memory_space<hbm>> -> memref<125x80xi32, #tpu.memory_space<hbm>>
      tpu.wait_dma2 semaphore(%run_scoped3A : memref<!tpu.dma_semaphore, #tpu.memory_space<semaphore_mem>>) src(%dma_wait3A_36 : memref<125x80xi32, #tpu.memory_space<hbm>>) dst(%arg8 : memref<125x80xi32, #tpu.memory_space<vmem>>)
      tpu.yield
    }) : () -> ()
    %barrier3A = arith.constant 0 : index
    tpu.barrier barrier_id(%barrier3A)
    %scan3A = arith.constant 0 : i32
    %scan3A_7 = arith.constant 0 : i32
    %scan3A_8 = arith.constant 125 : i32
    %scan3A_9 = arith.addi %scan3A_7, %scan3A_8 : i32
    %scan3A_10 = arith.constant 1 : i32
    scf.for %scan3A_23 = %scan3A_7 to %scan3A_9 step %scan3A_10  : i32 {
      %dma_start3A = arith.constant 0 : i32
      %dma_start3A_24 = tpu.memref_slice %arg7[%scan3A_23, %dma_start3A] : memref<125x80xi32, #tpu.memory_space<vmem>> -> memref<1x80xi32, #tpu.memory_space<vmem>>
      %dma_start3A_25 = tpu.memref_squeeze %dma_start3A_24 : memref<1x80xi32, #tpu.memory_space<vmem>> -> memref<80xi32, #tpu.memory_space<vmem>>
      %dma_start3A_26 = arith.constant 0 : i32
      %dma_start3A_27 = arith.constant 0 : i32
      %dma_start3A_28 = tpu.memref_slice %arg2[%dma_start3A_26, %dma_start3A_27] : memref<10000x128xf32, #tpu.memory_space<hbm>> -> memref<10000x128xf32, #tpu.memory_space<hbm>>
      tpu.enqueue_indirect_dma source(%dma_start3A_28 : memref<10000x128xf32, #tpu.memory_space<hbm>>) target(%arg9 : memref<80x128xf32, #tpu.memory_space<vmem>>) offsets(%dma_start3A_25 : memref<80xi32, #tpu.memory_space<vmem>>) semaphore(%arg11 : memref<!tpu.dma_semaphore, #tpu.memory_space<semaphore_mem>>)
      %dma_wait3A = arith.constant 0 : i32
      %dma_wait3A_29 = tpu.memref_slice %arg7[%scan3A_23, %dma_wait3A] : memref<125x80xi32, #tpu.memory_space<vmem>> -> memref<1x80xi32, #tpu.memory_space<vmem>>
      %dma_wait3A_30 = tpu.memref_squeeze %dma_wait3A_29 : memref<1x80xi32, #tpu.memory_space<vmem>> -> memref<80xi32, #tpu.memory_space<vmem>>
      %dma_wait3A_31 = arith.constant 0 : i32
      %dma_wait3A_32 = arith.constant 0 : i32
      %dma_wait3A_33 = tpu.memref_slice %arg2[%dma_wait3A_31, %dma_wait3A_32] : memref<10000x128xf32, #tpu.memory_space<hbm>> -> memref<10000x128xf32, #tpu.memory_space<hbm>>
      tpu.wait_indirect_dma semaphore(%arg11 : memref<!tpu.dma_semaphore, #tpu.memory_space<semaphore_mem>>) src(%dma_wait3A_33 : memref<10000x128xf32, #tpu.memory_space<hbm>>) dst(%arg9 : memref<80x128xf32, #tpu.memory_space<vmem>>)
      "tpu.region"() ({
        %run_scoped3A = tpu.sem_alloc : memref<!tpu.dma_semaphore, #tpu.memory_space<semaphore_mem>>
        %dma_start3A_34 = arith.constant 0 : i32
        %dma_start3A_35 = tpu.memref_slice %arg8[%scan3A_23, %dma_start3A_34] : memref<125x80xi32, #tpu.memory_space<vmem>> -> memref<1x80xi32, #tpu.memory_space<vmem>>
        %dma_start3A_36 = tpu.memref_squeeze %dma_start3A_35 : memref<1x80xi32, #tpu.memory_space<vmem>> -> memref<80xi32, #tpu.memory_space<vmem>>
        %dma_start3A_37 = arith.constant 0 : i32
        %dma_start3A_38 = arith.constant 0 : i32
        %dma_start3A_39 = tpu.memref_slice %arg10[%dma_start3A_37, %dma_start3A_38] : memref<10000x128xf32, #tpu.memory_space<vmem_shared>> -> memref<10000x128xf32, #tpu.memory_space<vmem_shared>>
        tpu.enqueue_indirect_dma source(%arg9 : memref<80x128xf32, #tpu.memory_space<vmem>>) target(%dma_start3A_39 : memref<10000x128xf32, #tpu.memory_space<vmem_shared>>) offsets(%dma_start3A_36 : memref<80xi32, #tpu.memory_space<vmem>>) semaphore(%run_scoped3A : memref<!tpu.dma_semaphore, #tpu.memory_space<semaphore_mem>>) {add = true}
        %dma_wait3A_40 = arith.constant 0 : i32
        %dma_wait3A_41 = tpu.memref_slice %arg8[%scan3A_23, %dma_wait3A_40] : memref<125x80xi32, #tpu.memory_space<vmem>> -> memref<1x80xi32, #tpu.memory_space<vmem>>
        %dma_wait3A_42 = tpu.memref_squeeze %dma_wait3A_41 : memref<1x80xi32, #tpu.memory_space<vmem>> -> memref<80xi32, #tpu.memory_space<vmem>>
        %dma_wait3A_43 = arith.constant 0 : i32
        %dma_wait3A_44 = arith.constant 0 : i32
        %dma_wait3A_45 = tpu.memref_slice %arg10[%dma_wait3A_43, %dma_wait3A_44] : memref<10000x128xf32, #tpu.memory_space<vmem_shared>> -> memref<10000x128xf32, #tpu.memory_space<vmem_shared>>
        tpu.wait_indirect_dma semaphore(%run_scoped3A : memref<!tpu.dma_semaphore, #tpu.memory_space<semaphore_mem>>) src(%arg9 : memref<80x128xf32, #tpu.memory_space<vmem>>) dst(%dma_wait3A_45 : memref<10000x128xf32, #tpu.memory_space<vmem_shared>>)
        tpu.yield
      }) : () -> ()
    }
    %scan3A_11 = arith.constant 125 : i32
    %barrier3A_12 = arith.constant 0 : index
    tpu.barrier barrier_id(%barrier3A_12)
    %lt3A_13 = arith.constant 15 : i32
    %lt3A_14 = arith.cmpi slt, %arg1, %lt3A_13 : i32
    %convert_element_type3A_15 = arith.extui %lt3A_14 : i1 to i32
    %cond3A_16 = arith.constant 0 : i32
    %cond3A_17 = arith.cmpi ne, %convert_element_type3A_15, %cond3A_16 : i32
    scf.if %cond3A_17 {
      %mul3A_23 = arith.constant 640 : i32
      %mul3A_24 = arith.muli %arg1, %mul3A_23 : i32
      %mul3A_25 = arith.constant 10000 : i32
      %mul3A_26 = arith.muli %arg0, %mul3A_25 : i32
      %mul3A_27 = arith.constant 640 : i32
      %mul3A_28 = arith.muli %arg1, %mul3A_27 : i32
      %add3A_29 = arith.addi %mul3A_26, %mul3A_28 : i32
      "tpu.region"() ({
        %run_scoped3A = tpu.sem_alloc : memref<!tpu.dma_semaphore, #tpu.memory_space<semaphore_mem>>
        %dma_start3A = arith.constant 0 : i32
        %dma_start3A_30 = tpu.memref_slice %arg6[%add3A_29, %dma_start3A] : memref<20000x128xf32, #tpu.memory_space<hbm>> -> memref<640x128xf32, #tpu.memory_space<hbm>>
        %dma_start3A_31 = arith.constant 0 : i32
        %dma_start3A_32 = tpu.memref_slice %arg10[%mul3A_24, %dma_start3A_31] : memref<10000x128xf32, #tpu.memory_space<vmem_shared>> -> memref<640x128xf32, #tpu.memory_space<vmem_shared>>
        tpu.enqueue_dma source(%dma_start3A_32 : memref<640x128xf32, #tpu.memory_space<vmem_shared>>) target(%dma_start3A_30 : memref<640x128xf32, #tpu.memory_space<hbm>>) target_semaphore(%run_scoped3A : memref<!tpu.dma_semaphore, #tpu.memory_space<semaphore_mem>>)
        %dma_wait3A = arith.constant 0 : i32
        %dma_wait3A_33 = tpu.memref_slice %arg6[%add3A_29, %dma_wait3A] : memref<20000x128xf32, #tpu.memory_space<hbm>> -> memref<640x128xf32, #tpu.memory_space<hbm>>
        %dma_wait3A_34 = arith.constant 0 : i32
        %dma_wait3A_35 = tpu.memref_slice %arg10[%mul3A_24, %dma_wait3A_34] : memref<10000x128xf32, #tpu.memory_space<vmem_shared>> -> memref<640x128xf32, #tpu.memory_space<vmem_shared>>
        tpu.wait_dma2 semaphore(%run_scoped3A : memref<!tpu.dma_semaphore, #tpu.memory_space<semaphore_mem>>) src(%dma_wait3A_35 : memref<640x128xf32, #tpu.memory_space<vmem_shared>>) dst(%dma_wait3A_33 : memref<640x128xf32, #tpu.memory_space<hbm>>)
        tpu.yield
      }) : () -> ()
    } else {
    }
    %eq3A_18 = arith.constant 15 : i32
    %eq3A_19 = arith.cmpi eq, %arg1, %eq3A_18 : i32
    %convert_element_type3A_20 = arith.extui %eq3A_19 : i1 to i32
    %cond3A_21 = arith.constant 0 : i32
    %cond3A_22 = arith.cmpi ne, %convert_element_type3A_20, %cond3A_21 : i32
    scf.if %cond3A_22 {
      %mul3A_23 = arith.constant 10000 : i32
      %mul3A_24 = arith.muli %arg0, %mul3A_23 : i32
      %add3A_25 = arith.constant 9600 : i32
      %add3A_26 = arith.addi %mul3A_24, %add3A_25 : i32
      "tpu.region"() ({
        %run_scoped3A = tpu.sem_alloc : memref<!tpu.dma_semaphore, #tpu.memory_space<semaphore_mem>>
        %dma_start3A = arith.constant 0 : i32
        %dma_start3A_27 = tpu.memref_slice %arg6[%add3A_26, %dma_start3A] : memref<20000x128xf32, #tpu.memory_space<hbm>> -> memref<400x128xf32, #tpu.memory_space<hbm>>
        %dma_start3A_28 = arith.constant 9600 : i32
        %dma_start3A_29 = arith.constant 0 : i32
        %dma_start3A_30 = tpu.memref_slice %arg10[%dma_start3A_28, %dma_start3A_29] : memref<10000x128xf32, #tpu.memory_space<vmem_shared>> -> memref<400x128xf32, #tpu.memory_space<vmem_shared>>
        tpu.enqueue_dma source(%dma_start3A_30 : memref<400x128xf32, #tpu.memory_space<vmem_shared>>) target(%dma_start3A_27 : memref<400x128xf32, #tpu.memory_space<hbm>>) target_semaphore(%run_scoped3A : memref<!tpu.dma_semaphore, #tpu.memory_space<semaphore_mem>>)
        %dma_wait3A = arith.constant 0 : i32
        %dma_wait3A_31 = tpu.memref_slice %arg6[%add3A_26, %dma_wait3A] : memref<20000x128xf32, #tpu.memory_space<hbm>> -> memref<400x128xf32, #tpu.memory_space<hbm>>
        %dma_wait3A_32 = arith.constant 9600 : i32
        %dma_wait3A_33 = arith.constant 0 : i32
        %dma_wait3A_34 = tpu.memref_slice %arg10[%dma_wait3A_32, %dma_wait3A_33] : memref<10000x128xf32, #tpu.memory_space<vmem_shared>> -> memref<400x128xf32, #tpu.memory_space<vmem_shared>>
        tpu.wait_dma2 semaphore(%run_scoped3A : memref<!tpu.dma_semaphore, #tpu.memory_space<semaphore_mem>>) src(%dma_wait3A_34 : memref<400x128xf32, #tpu.memory_space<vmem_shared>>) dst(%dma_wait3A_31 : memref<400x128xf32, #tpu.memory_space<hbm>>)
        tpu.yield
      }) : () -> ()
    } else {
    }
    return
  }
}

#map = affine_map<(d0, d1) -> (0, 0)>
#map1 = affine_map<(d0, d1) -> (0, 0, 0)>
module attributes {stable_mosaic.version = 14 : i64} {
  func.func @body(%arg0: i32, %arg1: i32, %arg2: memref<10000x128xf32, #tpu.memory_space<hbm>>, %arg3: memref<32x125x80xi32, #tpu.memory_space<hbm>>, %arg4: memref<32x125x80xi32, #tpu.memory_space<hbm>>, %arg5: memref<10000x128xf32, #tpu.memory_space<hbm>>, %arg6: memref<20000x128xf32, #tpu.memory_space<hbm>>, %arg7: memref<125x80xi32, #tpu.memory_space<vmem>>, %arg8: memref<125x80xi32, #tpu.memory_space<vmem>>, %arg9: memref<80x128xf32, #tpu.memory_space<vmem>>, %arg10: memref<10000x128xf32, #tpu.memory_space<vmem_shared>>, %arg11: memref<!tpu.dma_semaphore, #tpu.memory_space<semaphore_mem>>) attributes {dimension_semantics = [#tpu.dimension_semantics<core_parallel>, #tpu.dimension_semantics<subcore_parallel>], iteration_bounds = array<i64: 2, 16>, scalar_prefetch = 0 : i64, scratch_operands = 5 : i64, tpu.core_type = #tpu.core_type<sc_vector_subcore>, window_params = [{transform_indices = #map}, {transform_indices = #map1}, {transform_indices = #map1}, {transform_indices = #map}, {transform_indices = #map}]} {
    %mul3A = arith.constant 16 : i32
    %mul3A_0 = arith.muli %arg0, %mul3A : i32
    %add3A = arith.addi %mul3A_0, %arg1 : i32
    %lt3A = arith.constant 15 : i32
    %lt3A_1 = arith.cmpi slt, %arg1, %lt3A : i32
    %convert_element_type3A = arith.extui %lt3A_1 : i1 to i32
    %cond3A = arith.constant 0 : i32
    %cond3A_2 = arith.cmpi ne, %convert_element_type3A, %cond3A : i32
    scf.if %cond3A_2 {
      %mul3A_23 = arith.constant 640 : i32
      %mul3A_24 = arith.muli %arg1, %mul3A_23 : i32
      %mul3A_25 = arith.constant 640 : i32
      %mul3A_26 = arith.muli %arg1, %mul3A_25 : i32
      "tpu.region"() ({
        %run_scoped3A = tpu.sem_alloc : memref<!tpu.dma_semaphore, #tpu.memory_space<semaphore_mem>>
        %dma_start3A = arith.constant 0 : i32
        %dma_start3A_27 = tpu.memref_slice %arg10[%mul3A_26, %dma_start3A] : memref<10000x128xf32, #tpu.memory_space<vmem_shared>> -> memref<640x128xf32, #tpu.memory_space<vmem_shared>>
        %dma_start3A_28 = arith.constant 0 : i32
        %dma_start3A_29 = tpu.memref_slice %arg5[%mul3A_24, %dma_start3A_28] : memref<10000x128xf32, #tpu.memory_space<hbm>> -> memref<640x128xf32, #tpu.memory_space<hbm>>
        tpu.enqueue_dma source(%dma_start3A_29 : memref<640x128xf32, #tpu.memory_space<hbm>>) target(%dma_start3A_27 : memref<640x128xf32, #tpu.memory_space<vmem_shared>>) target_semaphore(%run_scoped3A : memref<!tpu.dma_semaphore, #tpu.memory_space<semaphore_mem>>)
        %dma_wait3A = arith.constant 0 : i32
        %dma_wait3A_30 = tpu.memref_slice %arg10[%mul3A_26, %dma_wait3A] : memref<10000x128xf32, #tpu.memory_space<vmem_shared>> -> memref<640x128xf32, #tpu.memory_space<vmem_shared>>
        %dma_wait3A_31 = arith.constant 0 : i32
        %dma_wait3A_32 = tpu.memref_slice %arg5[%mul3A_24, %dma_wait3A_31] : memref<10000x128xf32, #tpu.memory_space<hbm>> -> memref<640x128xf32, #tpu.memory_space<hbm>>
        tpu.wait_dma2 semaphore(%run_scoped3A : memref<!tpu.dma_semaphore, #tpu.memory_space<semaphore_mem>>) src(%dma_wait3A_32 : memref<640x128xf32, #tpu.memory_space<hbm>>) dst(%dma_wait3A_30 : memref<640x128xf32, #tpu.memory_space<vmem_shared>>)
        tpu.yield
      }) : () -> ()
    } else {
    }
    %eq3A = arith.constant 15 : i32
    %eq3A_3 = arith.cmpi eq, %arg1, %eq3A : i32
    %convert_element_type3A_4 = arith.extui %eq3A_3 : i1 to i32
    %cond3A_5 = arith.constant 0 : i32
    %cond3A_6 = arith.cmpi ne, %convert_element_type3A_4, %cond3A_5 : i32
    scf.if %cond3A_6 {
      "tpu.region"() ({
        %run_scoped3A = tpu.sem_alloc : memref<!tpu.dma_semaphore, #tpu.memory_space<semaphore_mem>>
        %dma_start3A = arith.constant 9600 : i32
        %dma_start3A_23 = arith.constant 0 : i32
        %dma_start3A_24 = tpu.memref_slice %arg10[%dma_start3A, %dma_start3A_23] : memref<10000x128xf32, #tpu.memory_space<vmem_shared>> -> memref<400x128xf32, #tpu.memory_space<vmem_shared>>
        %dma_start3A_25 = arith.constant 9600 : i32
        %dma_start3A_26 = arith.constant 0 : i32
        %dma_start3A_27 = tpu.memref_slice %arg5[%dma_start3A_25, %dma_start3A_26] : memref<10000x128xf32, #tpu.memory_space<hbm>> -> memref<400x128xf32, #tpu.memory_space<hbm>>
        tpu.enqueue_dma source(%dma_start3A_27 : memref<400x128xf32, #tpu.memory_space<hbm>>) target(%dma_start3A_24 : memref<400x128xf32, #tpu.memory_space<vmem_shared>>) target_semaphore(%run_scoped3A : memref<!tpu.dma_semaphore, #tpu.memory_space<semaphore_mem>>)
        %dma_wait3A = arith.constant 9600 : i32
        %dma_wait3A_28 = arith.constant 0 : i32
        %dma_wait3A_29 = tpu.memref_slice %arg10[%dma_wait3A, %dma_wait3A_28] : memref<10000x128xf32, #tpu.memory_space<vmem_shared>> -> memref<400x128xf32, #tpu.memory_space<vmem_shared>>
        %dma_wait3A_30 = arith.constant 9600 : i32
        %dma_wait3A_31 = arith.constant 0 : i32
        %dma_wait3A_32 = tpu.memref_slice %arg5[%dma_wait3A_30, %dma_wait3A_31] : memref<10000x128xf32, #tpu.memory_space<hbm>> -> memref<400x128xf32, #tpu.memory_space<hbm>>
        tpu.wait_dma2 semaphore(%run_scoped3A : memref<!tpu.dma_semaphore, #tpu.memory_space<semaphore_mem>>) src(%dma_wait3A_32 : memref<400x128xf32, #tpu.memory_space<hbm>>) dst(%dma_wait3A_29 : memref<400x128xf32, #tpu.memory_space<vmem_shared>>)
        tpu.yield
      }) : () -> ()
    } else {
    }
    "tpu.region"() ({
      %run_scoped3A = tpu.sem_alloc : memref<!tpu.dma_semaphore, #tpu.memory_space<semaphore_mem>>
      %dma_start3A = arith.constant 0 : i32
      %dma_start3A_23 = arith.constant 0 : i32
      %dma_start3A_24 = tpu.memref_slice %arg3[%add3A, %dma_start3A, %dma_start3A_23] : memref<32x125x80xi32, #tpu.memory_space<hbm>> -> memref<1x125x80xi32, #tpu.memory_space<hbm>>
      %dma_start3A_25 = tpu.memref_squeeze %dma_start3A_24 : memref<1x125x80xi32, #tpu.memory_space<hbm>> -> memref<125x80xi32, #tpu.memory_space<hbm>>
      %dma_start3A_26 = arith.constant 0 : i32
      %dma_start3A_27 = arith.constant 0 : i32
      %dma_start3A_28 = tpu.memref_slice %arg3[%add3A, %dma_start3A_26, %dma_start3A_27] : memref<32x125x80xi32, #tpu.memory_space<hbm>> -> memref<1x125x80xi32, #tpu.memory_space<hbm>>
      %dma_start3A_29 = tpu.memref_squeeze %dma_start3A_28 : memref<1x125x80xi32, #tpu.memory_space<hbm>> -> memref<125x80xi32, #tpu.memory_space<hbm>>
      tpu.enqueue_dma source(%dma_start3A_29 : memref<125x80xi32, #tpu.memory_space<hbm>>) target(%arg7 : memref<125x80xi32, #tpu.memory_space<vmem>>) target_semaphore(%run_scoped3A : memref<!tpu.dma_semaphore, #tpu.memory_space<semaphore_mem>>)
      %dma_wait3A = arith.constant 0 : i32
      %dma_wait3A_30 = arith.constant 0 : i32
      %dma_wait3A_31 = tpu.memref_slice %arg3[%add3A, %dma_wait3A, %dma_wait3A_30] : memref<32x125x80xi32, #tpu.memory_space<hbm>> -> memref<1x125x80xi32, #tpu.memory_space<hbm>>
      %dma_wait3A_32 = tpu.memref_squeeze %dma_wait3A_31 : memref<1x125x80xi32, #tpu.memory_space<hbm>> -> memref<125x80xi32, #tpu.memory_space<hbm>>
      %dma_wait3A_33 = arith.constant 0 : i32
      %dma_wait3A_34 = arith.constant 0 : i32
      %dma_wait3A_35 = tpu.memref_slice %arg3[%add3A, %dma_wait3A_33, %dma_wait3A_34] : memref<32x125x80xi32, #tpu.memory_space<hbm>> -> memref<1x125x80xi32, #tpu.memory_space<hbm>>
      %dma_wait3A_36 = tpu.memref_squeeze %dma_wait3A_35 : memref<1x125x80xi32, #tpu.memory_space<hbm>> -> memref<125x80xi32, #tpu.memory_space<hbm>>
      tpu.wait_dma2 semaphore(%run_scoped3A : memref<!tpu.dma_semaphore, #tpu.memory_space<semaphore_mem>>) src(%dma_wait3A_36 : memref<125x80xi32, #tpu.memory_space<hbm>>) dst(%arg7 : memref<125x80xi32, #tpu.memory_space<vmem>>)
      tpu.yield
    }) : () -> ()
    "tpu.region"() ({
      %run_scoped3A = tpu.sem_alloc : memref<!tpu.dma_semaphore, #tpu.memory_space<semaphore_mem>>
      %dma_start3A = arith.constant 0 : i32
      %dma_start3A_23 = arith.constant 0 : i32
      %dma_start3A_24 = tpu.memref_slice %arg4[%add3A, %dma_start3A, %dma_start3A_23] : memref<32x125x80xi32, #tpu.memory_space<hbm>> -> memref<1x125x80xi32, #tpu.memory_space<hbm>>
      %dma_start3A_25 = tpu.memref_squeeze %dma_start3A_24 : memref<1x125x80xi32, #tpu.memory_space<hbm>> -> memref<125x80xi32, #tpu.memory_space<hbm>>
      %dma_start3A_26 = arith.constant 0 : i32
      %dma_start3A_27 = arith.constant 0 : i32
      %dma_start3A_28 = tpu.memref_slice %arg4[%add3A, %dma_start3A_26, %dma_start3A_27] : memref<32x125x80xi32, #tpu.memory_space<hbm>> -> memref<1x125x80xi32, #tpu.memory_space<hbm>>
      %dma_start3A_29 = tpu.memref_squeeze %dma_start3A_28 : memref<1x125x80xi32, #tpu.memory_space<hbm>> -> memref<125x80xi32, #tpu.memory_space<hbm>>
      tpu.enqueue_dma source(%dma_start3A_29 : memref<125x80xi32, #tpu.memory_space<hbm>>) target(%arg8 : memref<125x80xi32, #tpu.memory_space<vmem>>) target_semaphore(%run_scoped3A : memref<!tpu.dma_semaphore, #tpu.memory_space<semaphore_mem>>)
      %dma_wait3A = arith.constant 0 : i32
      %dma_wait3A_30 = arith.constant 0 : i32
      %dma_wait3A_31 = tpu.memref_slice %arg4[%add3A, %dma_wait3A, %dma_wait3A_30] : memref<32x125x80xi32, #tpu.memory_space<hbm>> -> memref<1x125x80xi32, #tpu.memory_space<hbm>>
      %dma_wait3A_32 = tpu.memref_squeeze %dma_wait3A_31 : memref<1x125x80xi32, #tpu.memory_space<hbm>> -> memref<125x80xi32, #tpu.memory_space<hbm>>
      %dma_wait3A_33 = arith.constant 0 : i32
      %dma_wait3A_34 = arith.constant 0 : i32
      %dma_wait3A_35 = tpu.memref_slice %arg4[%add3A, %dma_wait3A_33, %dma_wait3A_34] : memref<32x125x80xi32, #tpu.memory_space<hbm>> -> memref<1x125x80xi32, #tpu.memory_space<hbm>>
      %dma_wait3A_36 = tpu.memref_squeeze %dma_wait3A_35 : memref<1x125x80xi32, #tpu.memory_space<hbm>> -> memref<125x80xi32, #tpu.memory_space<hbm>>
      tpu.wait_dma2 semaphore(%run_scoped3A : memref<!tpu.dma_semaphore, #tpu.memory_space<semaphore_mem>>) src(%dma_wait3A_36 : memref<125x80xi32, #tpu.memory_space<hbm>>) dst(%arg8 : memref<125x80xi32, #tpu.memory_space<vmem>>)
      tpu.yield
    }) : () -> ()
    %barrier3A = arith.constant 0 : index
    tpu.barrier barrier_id(%barrier3A)
    %scan3A = arith.constant 0 : i32
    %scan3A_7 = arith.constant 0 : i32
    %scan3A_8 = arith.constant 125 : i32
    %scan3A_9 = arith.addi %scan3A_7, %scan3A_8 : i32
    %scan3A_10 = arith.constant 1 : i32
    scf.for %scan3A_23 = %scan3A_7 to %scan3A_9 step %scan3A_10  : i32 {
      %dma_start3A = arith.constant 0 : i32
      %dma_start3A_24 = tpu.memref_slice %arg7[%scan3A_23, %dma_start3A] : memref<125x80xi32, #tpu.memory_space<vmem>> -> memref<1x80xi32, #tpu.memory_space<vmem>>
      %dma_start3A_25 = tpu.memref_squeeze %dma_start3A_24 : memref<1x80xi32, #tpu.memory_space<vmem>> -> memref<80xi32, #tpu.memory_space<vmem>>
      %dma_start3A_26 = arith.constant 0 : i32
      %dma_start3A_27 = arith.constant 0 : i32
      %dma_start3A_28 = tpu.memref_slice %arg2[%dma_start3A_26, %dma_start3A_27] : memref<10000x128xf32, #tpu.memory_space<hbm>> -> memref<10000x128xf32, #tpu.memory_space<hbm>>
      tpu.enqueue_indirect_dma source(%dma_start3A_28 : memref<10000x128xf32, #tpu.memory_space<hbm>>) target(%arg9 : memref<80x128xf32, #tpu.memory_space<vmem>>) offsets(%dma_start3A_25 : memref<80xi32, #tpu.memory_space<vmem>>) semaphore(%arg11 : memref<!tpu.dma_semaphore, #tpu.memory_space<semaphore_mem>>)
      %dma_wait3A = arith.constant 0 : i32
      %dma_wait3A_29 = tpu.memref_slice %arg7[%scan3A_23, %dma_wait3A] : memref<125x80xi32, #tpu.memory_space<vmem>> -> memref<1x80xi32, #tpu.memory_space<vmem>>
      %dma_wait3A_30 = tpu.memref_squeeze %dma_wait3A_29 : memref<1x80xi32, #tpu.memory_space<vmem>> -> memref<80xi32, #tpu.memory_space<vmem>>
      %dma_wait3A_31 = arith.constant 0 : i32
      %dma_wait3A_32 = arith.constant 0 : i32
      %dma_wait3A_33 = tpu.memref_slice %arg2[%dma_wait3A_31, %dma_wait3A_32] : memref<10000x128xf32, #tpu.memory_space<hbm>> -> memref<10000x128xf32, #tpu.memory_space<hbm>>
      tpu.wait_indirect_dma semaphore(%arg11 : memref<!tpu.dma_semaphore, #tpu.memory_space<semaphore_mem>>) src(%dma_wait3A_33 : memref<10000x128xf32, #tpu.memory_space<hbm>>) dst(%arg9 : memref<80x128xf32, #tpu.memory_space<vmem>>)
      "tpu.region"() ({
        %run_scoped3A = tpu.sem_alloc : memref<!tpu.dma_semaphore, #tpu.memory_space<semaphore_mem>>
        %dma_start3A_34 = arith.constant 0 : i32
        %dma_start3A_35 = tpu.memref_slice %arg8[%scan3A_23, %dma_start3A_34] : memref<125x80xi32, #tpu.memory_space<vmem>> -> memref<1x80xi32, #tpu.memory_space<vmem>>
        %dma_start3A_36 = tpu.memref_squeeze %dma_start3A_35 : memref<1x80xi32, #tpu.memory_space<vmem>> -> memref<80xi32, #tpu.memory_space<vmem>>
        %dma_start3A_37 = arith.constant 0 : i32
        %dma_start3A_38 = arith.constant 0 : i32
        %dma_start3A_39 = tpu.memref_slice %arg10[%dma_start3A_37, %dma_start3A_38] : memref<10000x128xf32, #tpu.memory_space<vmem_shared>> -> memref<10000x128xf32, #tpu.memory_space<vmem_shared>>
        tpu.enqueue_indirect_dma source(%arg9 : memref<80x128xf32, #tpu.memory_space<vmem>>) target(%dma_start3A_39 : memref<10000x128xf32, #tpu.memory_space<vmem_shared>>) offsets(%dma_start3A_36 : memref<80xi32, #tpu.memory_space<vmem>>) semaphore(%run_scoped3A : memref<!tpu.dma_semaphore, #tpu.memory_space<semaphore_mem>>) {add = true}
        %dma_wait3A_40 = arith.constant 0 : i32
        %dma_wait3A_41 = tpu.memref_slice %arg8[%scan3A_23, %dma_wait3A_40] : memref<125x80xi32, #tpu.memory_space<vmem>> -> memref<1x80xi32, #tpu.memory_space<vmem>>
        %dma_wait3A_42 = tpu.memref_squeeze %dma_wait3A_41 : memref<1x80xi32, #tpu.memory_space<vmem>> -> memref<80xi32, #tpu.memory_space<vmem>>
        %dma_wait3A_43 = arith.constant 0 : i32
        %dma_wait3A_44 = arith.constant 0 : i32
        %dma_wait3A_45 = tpu.memref_slice %arg10[%dma_wait3A_43, %dma_wait3A_44] : memref<10000x128xf32, #tpu.memory_space<vmem_shared>> -> memref<10000x128xf32, #tpu.memory_space<vmem_shared>>
        tpu.wait_indirect_dma semaphore(%run_scoped3A : memref<!tpu.dma_semaphore, #tpu.memory_space<semaphore_mem>>) src(%arg9 : memref<80x128xf32, #tpu.memory_space<vmem>>) dst(%dma_wait3A_45 : memref<10000x128xf32, #tpu.memory_space<vmem_shared>>)
        tpu.yield
      }) : () -> ()
    }
    %scan3A_11 = arith.constant 125 : i32
    %barrier3A_12 = arith.constant 0 : index
    tpu.barrier barrier_id(%barrier3A_12)
    %lt3A_13 = arith.constant 15 : i32
    %lt3A_14 = arith.cmpi slt, %arg1, %lt3A_13 : i32
    %convert_element_type3A_15 = arith.extui %lt3A_14 : i1 to i32
    %cond3A_16 = arith.constant 0 : i32
    %cond3A_17 = arith.cmpi ne, %convert_element_type3A_15, %cond3A_16 : i32
    scf.if %cond3A_17 {
      %mul3A_23 = arith.constant 640 : i32
      %mul3A_24 = arith.muli %arg1, %mul3A_23 : i32
      %mul3A_25 = arith.constant 10000 : i32
      %mul3A_26 = arith.muli %arg0, %mul3A_25 : i32
      %mul3A_27 = arith.constant 640 : i32
      %mul3A_28 = arith.muli %arg1, %mul3A_27 : i32
      %add3A_29 = arith.addi %mul3A_26, %mul3A_28 : i32
      "tpu.region"() ({
        %run_scoped3A = tpu.sem_alloc : memref<!tpu.dma_semaphore, #tpu.memory_space<semaphore_mem>>
        %dma_start3A = arith.constant 0 : i32
        %dma_start3A_30 = tpu.memref_slice %arg6[%add3A_29, %dma_start3A] : memref<20000x128xf32, #tpu.memory_space<hbm>> -> memref<640x128xf32, #tpu.memory_space<hbm>>
        %dma_start3A_31 = arith.constant 0 : i32
        %dma_start3A_32 = tpu.memref_slice %arg10[%mul3A_24, %dma_start3A_31] : memref<10000x128xf32, #tpu.memory_space<vmem_shared>> -> memref<640x128xf32, #tpu.memory_space<vmem_shared>>
        tpu.enqueue_dma source(%dma_start3A_32 : memref<640x128xf32, #tpu.memory_space<vmem_shared>>) target(%dma_start3A_30 : memref<640x128xf32, #tpu.memory_space<hbm>>) target_semaphore(%run_scoped3A : memref<!tpu.dma_semaphore, #tpu.memory_space<semaphore_mem>>)
        %dma_wait3A = arith.constant 0 : i32
        %dma_wait3A_33 = tpu.memref_slice %arg6[%add3A_29, %dma_wait3A] : memref<20000x128xf32, #tpu.memory_space<hbm>> -> memref<640x128xf32, #tpu.memory_space<hbm>>
        %dma_wait3A_34 = arith.constant 0 : i32
        %dma_wait3A_35 = tpu.memref_slice %arg10[%mul3A_24, %dma_wait3A_34] : memref<10000x128xf32, #tpu.memory_space<vmem_shared>> -> memref<640x128xf32, #tpu.memory_space<vmem_shared>>
        tpu.wait_dma2 semaphore(%run_scoped3A : memref<!tpu.dma_semaphore, #tpu.memory_space<semaphore_mem>>) src(%dma_wait3A_35 : memref<640x128xf32, #tpu.memory_space<vmem_shared>>) dst(%dma_wait3A_33 : memref<640x128xf32, #tpu.memory_space<hbm>>)
        tpu.yield
      }) : () -> ()
    } else {
    }
    %eq3A_18 = arith.constant 15 : i32
    %eq3A_19 = arith.cmpi eq, %arg1, %eq3A_18 : i32
    %convert_element_type3A_20 = arith.extui %eq3A_19 : i1 to i32
    %cond3A_21 = arith.constant 0 : i32
    %cond3A_22 = arith.cmpi ne, %convert_element_type3A_20, %cond3A_21 : i32
    scf.if %cond3A_22 {
      %mul3A_23 = arith.constant 10000 : i32
      %mul3A_24 = arith.muli %arg0, %mul3A_23 : i32
      %add3A_25 = arith.constant 9600 : i32
      %add3A_26 = arith.addi %mul3A_24, %add3A_25 : i32
      "tpu.region"() ({
        %run_scoped3A = tpu.sem_alloc : memref<!tpu.dma_semaphore, #tpu.memory_space<semaphore_mem>>
        %dma_start3A = arith.constant 0 : i32
        %dma_start3A_27 = tpu.memref_slice %arg6[%add3A_26, %dma_start3A] : memref<20000x128xf32, #tpu.memory_space<hbm>> -> memref<400x128xf32, #tpu.memory_space<hbm>>
        %dma_start3A_28 = arith.constant 9600 : i32
        %dma_start3A_29 = arith.constant 0 : i32
        %dma_start3A_30 = tpu.memref_slice %arg10[%dma_start3A_28, %dma_start3A_29] : memref<10000x128xf32, #tpu.memory_space<vmem_shared>> -> memref<400x128xf32, #tpu.memory_space<vmem_shared>>
        tpu.enqueue_dma source(%dma_start3A_30 : memref<400x128xf32, #tpu.memory_space<vmem_shared>>) target(%dma_start3A_27 : memref<400x128xf32, #tpu.memory_space<hbm>>) target_semaphore(%run_scoped3A : memref<!tpu.dma_semaphore, #tpu.memory_space<semaphore_mem>>)
        %dma_wait3A = arith.constant 0 : i32
        %dma_wait3A_31 = tpu.memref_slice %arg6[%add3A_26, %dma_wait3A] : memref<20000x128xf32, #tpu.memory_space<hbm>> -> memref<400x128xf32, #tpu.memory_space<hbm>>
        %dma_wait3A_32 = arith.constant 9600 : i32
        %dma_wait3A_33 = arith.constant 0 : i32
        %dma_wait3A_34 = tpu.memref_slice %arg10[%dma_wait3A_32, %dma_wait3A_33] : memref<10000x128xf32, #tpu.memory_space<vmem_shared>> -> memref<400x128xf32, #tpu.memory_space<vmem_shared>>
        tpu.wait_dma2 semaphore(%run_scoped3A : memref<!tpu.dma_semaphore, #tpu.memory_space<semaphore_mem>>) src(%dma_wait3A_34 : memref<400x128xf32, #tpu.memory_space<vmem_shared>>) dst(%dma_wait3A_31 : memref<400x128xf32, #tpu.memory_space<hbm>>)
        tpu.yield
      }) : () -> ()
    } else {
    }
    return
  }
}

module attributes {stable_mosaic.version = 14 : i64} {
  func.func @_premsg_body(%arg0: memref<10000x128xf32, #tpu.memory_space<vmem>>, %arg1: memref<1x128xf32, #tpu.memory_space<vmem>>, %arg2: memref<1x128xf32, #tpu.memory_space<vmem>>, %arg3: memref<10000x128xf32, #tpu.memory_space<vmem>>) attributes {dimension_semantics = [], scalar_prefetch = 0 : i64, scratch_operands = 0 : i64, tpu.core_type = #tpu.core_type<tc>} {
    %get3A = arith.constant 0 : index
    %get3A_0 = arith.constant 0 : index
    %get3A_1 = vector.load %arg1[%get3A, %get3A_0] : memref<1x128xf32, #tpu.memory_space<vmem>>, vector<1x128xf32>
    %get3A_2 = arith.constant 0 : index
    %get3A_3 = arith.constant 0 : index
    %get3A_4 = vector.load %arg2[%get3A_2, %get3A_3] : memref<1x128xf32, #tpu.memory_space<vmem>>, vector<1x128xf32>
    %add3A = arith.addf %get3A_1, %get3A_4 : vector<1x128xf32>
    %max3A = arith.constant 0.000000e+00 : f32
    %max3A_5 = vector.broadcast %max3A : f32 to vector<1x128xf32>
    %max3A_6 = arith.maximumf %add3A, %max3A_5 : vector<1x128xf32>
    %get3A_7 = arith.constant 0 : index
    %get3A_8 = arith.constant 0 : index
    %get3A_9 = vector.load %arg0[%get3A_7, %get3A_8] : memref<10000x128xf32, #tpu.memory_space<vmem>>, vector<10000x128xf32>
    %add3A_10 = vector.broadcast %max3A_6 : vector<1x128xf32> to vector<10000x128xf32>
    %add3A_11 = arith.addf %get3A_9, %add3A_10 : vector<10000x128xf32>
    %max3A_12 = arith.constant 0.000000e+00 : f32
    %max3A_13 = vector.broadcast %max3A_12 : f32 to vector<10000x128xf32>
    %max3A_14 = arith.maximumf %add3A_11, %max3A_13 : vector<10000x128xf32>
    %swap3A = arith.constant 0 : index
    %swap3A_15 = arith.constant 0 : index
    %swap3A_16 = vector.load %arg3[%swap3A, %swap3A_15] : memref<10000x128xf32, #tpu.memory_space<vmem>>, vector<10000x128xf32>
    tpu.vector_store %arg3[%swap3A, %swap3A_15], %max3A_14 {strides = array<i32>} : memref<10000x128xf32, #tpu.memory_space<vmem>>, vector<10000x128xf32>,
    return
  }
}

module attributes {stable_mosaic.version = 14 : i64} {
  func.func @_layer_body(%arg0: i32, %arg1: memref<2x2000x128xf32, #tpu.memory_space<vmem>>, %arg2: memref<2000x128xf32, #tpu.memory_space<vmem>>, %arg3: memref<128x128xf32, #tpu.memory_space<vmem>>, %arg4: memref<1x128xf32, #tpu.memory_space<vmem>>, %arg5: memref<1x128xf32, #tpu.memory_space<vmem>>, %arg6: memref<2000x128xf32, #tpu.memory_space<vmem>>, %arg7: memref<2000x128xf32, #tpu.memory_space<vmem>>) attributes {dimension_semantics = [#tpu.dimension_semantics<arbitrary>], iteration_bounds = array<i64: 5>, scalar_prefetch = 0 : i64, scratch_operands = 0 : i64, tpu.core_type = #tpu.core_type<tc>, window_params = [{transform_indices = @transform_0, window_bounds = array<i64: 2, 2000, 128>}, {transform_indices = @transform_1, window_bounds = array<i64: 2000, 128>}, {pipeline_mode = #tpu.pipeline_mode<synchronous>, transform_indices = @transform_2, window_bounds = array<i64: 128, 128>}, {pipeline_mode = #tpu.pipeline_mode<synchronous>, transform_indices = @transform_3, window_bounds = array<i64: 1, 128>}, {pipeline_mode = #tpu.pipeline_mode<synchronous>, transform_indices = @transform_4, window_bounds = array<i64: 1, 128>}, {transform_indices = @transform_5, window_bounds = array<i64: 2000, 128>}, {transform_indices = @transform_6, window_bounds = array<i64: 2000, 128>}]} {
    %get3A = arith.constant 0 : index
    %get3A_0 = arith.constant 0 : index
    %get3A_1 = arith.constant 0 : index
    %get3A_2 = vector.load %arg1[%get3A, %get3A_0, %get3A_1] : memref<2x2000x128xf32, #tpu.memory_space<vmem>>, vector<1x2000x128xf32>
    %get3A_3 = vector.shape_cast %get3A_2 : vector<1x2000x128xf32> to vector<2000x128xf32>
    %get3A_4 = arith.constant 1 : index
    %get3A_5 = arith.constant 0 : index
    %get3A_6 = arith.constant 0 : index
    %get3A_7 = vector.load %arg1[%get3A_4, %get3A_5, %get3A_6] : memref<2x2000x128xf32, #tpu.memory_space<vmem>>, vector<1x2000x128xf32>
    %get3A_8 = vector.shape_cast %get3A_7 : vector<1x2000x128xf32> to vector<2000x128xf32>
    %add3A = arith.addf %get3A_3, %get3A_8 : vector<2000x128xf32>
    %get3A_9 = arith.constant 0 : index
    %get3A_10 = arith.constant 0 : index
    %get3A_11 = vector.load %arg2[%get3A_9, %get3A_10] : memref<2000x128xf32, #tpu.memory_space<vmem>>, vector<2000x128xf32>
    %add3A_12 = arith.addf %add3A, %get3A_11 : vector<2000x128xf32>
    %get3A_13 = arith.constant 0 : index
    %get3A_14 = arith.constant 0 : index
    %get3A_15 = vector.load %arg3[%get3A_13, %get3A_14] : memref<128x128xf32, #tpu.memory_space<vmem>>, vector<128x128xf32>
    %dot_general3A = arith.constant dense<0.000000e+00> : vector<2000x128xf32>
    %dot_general3A_16 = tpu.matmul %add3A_12, %get3A_15, %dot_general3A {dimension_numbers = #tpu.dot_dimension_numbers<[1], [0], [0], [1], [0, 0, 1, 1], [], []>, transpose_lhs_hint = false} : vector<2000x128xf32>, vector<128x128xf32>, vector<2000x128xf32> -> vector<2000x128xf32>
    %max3A = arith.constant 0.000000e+00 : f32
    %max3A_17 = vector.broadcast %max3A : f32 to vector<2000x128xf32>
    %max3A_18 = arith.maximumf %dot_general3A_16, %max3A_17 : vector<2000x128xf32>
    %swap3A = arith.constant 0 : index
    %swap3A_19 = arith.constant 0 : index
    %swap3A_20 = vector.load %arg6[%swap3A, %swap3A_19] : memref<2000x128xf32, #tpu.memory_space<vmem>>, vector<2000x128xf32>
    tpu.vector_store %arg6[%swap3A, %swap3A_19], %max3A_18 {strides = array<i32>} : memref<2000x128xf32, #tpu.memory_space<vmem>>, vector<2000x128xf32>,
    %get3A_21 = arith.constant 0 : index
    %get3A_22 = arith.constant 0 : index
    %get3A_23 = vector.load %arg4[%get3A_21, %get3A_22] : memref<1x128xf32, #tpu.memory_space<vmem>>, vector<1x128xf32>
    %get3A_24 = arith.constant 0 : index
    %get3A_25 = arith.constant 0 : index
    %get3A_26 = vector.load %arg5[%get3A_24, %get3A_25] : memref<1x128xf32, #tpu.memory_space<vmem>>, vector<1x128xf32>
    %add3A_27 = arith.addf %get3A_23, %get3A_26 : vector<1x128xf32>
    %max3A_28 = arith.constant 0.000000e+00 : f32
    %max3A_29 = vector.broadcast %max3A_28 : f32 to vector<1x128xf32>
    %max3A_30 = arith.maximumf %add3A_27, %max3A_29 : vector<1x128xf32>
    %add3A_31 = vector.broadcast %max3A_30 : vector<1x128xf32> to vector<2000x128xf32>
    %add3A_32 = arith.addf %max3A_18, %add3A_31 : vector<2000x128xf32>
    %max3A_33 = arith.constant 0.000000e+00 : f32
    %max3A_34 = vector.broadcast %max3A_33 : f32 to vector<2000x128xf32>
    %max3A_35 = arith.maximumf %add3A_32, %max3A_34 : vector<2000x128xf32>
    %swap3A_36 = arith.constant 0 : index
    %swap3A_37 = arith.constant 0 : index
    %swap3A_38 = vector.load %arg7[%swap3A_36, %swap3A_37] : memref<2000x128xf32, #tpu.memory_space<vmem>>, vector<2000x128xf32>
    tpu.vector_store %arg7[%swap3A_36, %swap3A_37], %max3A_35 {strides = array<i32>} : memref<2000x128xf32, #tpu.memory_space<vmem>>, vector<2000x128xf32>,
    return
  }
  func.func @transform_0(%arg0: i32) -> (i32, i32, i32) {
    %c0_i32 = arith.constant 0 : i32
    %c0_i32_0 = arith.constant 0 : i32
    %c0_i32_1 = arith.constant 0 : i32
    return %c0_i32, %arg0, %c0_i32_0 : i32, i32, i32
  }
  func.func @transform_1(%arg0: i32) -> (i32, i32) {
    %c0_i32 = arith.constant 0 : i32
    %c0_i32_0 = arith.constant 0 : i32
    return %arg0, %c0_i32 : i32, i32
  }
  func.func @transform_2(%arg0: i32) -> (i32, i32) {
    %c0_i32 = arith.constant 0 : i32
    %c0_i32_0 = arith.constant 0 : i32
    %c0_i32_1 = arith.constant 0 : i32
    return %c0_i32, %c0_i32_0 : i32, i32
  }
  func.func @transform_3(%arg0: i32) -> (i32, i32) {
    %c0_i32 = arith.constant 0 : i32
    %c0_i32_0 = arith.constant 0 : i32
    %c0_i32_1 = arith.constant 0 : i32
    return %c0_i32, %c0_i32_0 : i32, i32
  }
  func.func @transform_4(%arg0: i32) -> (i32, i32) {
    %c0_i32 = arith.constant 0 : i32
    %c0_i32_0 = arith.constant 0 : i32
    %c0_i32_1 = arith.constant 0 : i32
    return %c0_i32, %c0_i32_0 : i32, i32
  }
  func.func @transform_5(%arg0: i32) -> (i32, i32) {
    %c0_i32 = arith.constant 0 : i32
    %c0_i32_0 = arith.constant 0 : i32
    return %arg0, %c0_i32 : i32, i32
  }
  func.func @transform_6(%arg0: i32) -> (i32, i32) {
    %c0_i32 = arith.constant 0 : i32
    %c0_i32_0 = arith.constant 0 : i32
    return %arg0, %c0_i32 : i32, i32
  }
}

module attributes {stable_mosaic.version = 14 : i64} {
  func.func @_final_body(%arg0: i32, %arg1: memref<2x2000x128xf32, #tpu.memory_space<vmem>>, %arg2: memref<2000x128xf32, #tpu.memory_space<vmem>>, %arg3: memref<128x128xf32, #tpu.memory_space<vmem>>, %arg4: memref<2000x1xi32, #tpu.memory_space<vmem>>, %arg5: memref<128x16xf32, #tpu.memory_space<vmem>>, %arg6: memref<128x16xf32, #tpu.memory_space<vmem>>, %arg7: memref<128x128xf32, #tpu.memory_space<vmem>>, %arg8: memref<128x128xf32, #tpu.memory_space<vmem>>) attributes {dimension_semantics = [#tpu.dimension_semantics<arbitrary>], iteration_bounds = array<i64: 5>, scalar_prefetch = 0 : i64, scratch_operands = 2 : i64, tpu.core_type = #tpu.core_type<tc>, window_params = [{transform_indices = @transform_0, window_bounds = array<i64: 2, 2000, 128>}, {transform_indices = @transform_1, window_bounds = array<i64: 2000, 128>}, {pipeline_mode = #tpu.pipeline_mode<synchronous>, transform_indices = @transform_2, window_bounds = array<i64: 128, 128>}, {transform_indices = @transform_3, window_bounds = array<i64: 2000, 1>}, {pipeline_mode = #tpu.pipeline_mode<synchronous>, transform_indices = @transform_4, window_bounds = array<i64: 128, 16>}, {pipeline_mode = #tpu.pipeline_mode<synchronous>, transform_indices = @transform_5, window_bounds = array<i64: 128, 16>}]} {
    %eq3A = arith.constant 0 : i32
    %eq3A_0 = arith.cmpi eq, %arg0, %eq3A : i32
    %convert_element_type3A = arith.extui %eq3A_0 : i1 to i32
    %cond3A = arith.constant 0 : i32
    %cond3A_1 = arith.cmpi ne, %convert_element_type3A, %cond3A : i32
    scf.if %cond3A_1 {
      %broadcast_in_dim3A_52 = arith.constant 0.000000e+00 : f32
      %broadcast_in_dim3A_53 = vector.broadcast %broadcast_in_dim3A_52 : f32 to vector<128x128xf32>
      %swap3A_54 = arith.constant 0 : index
      %swap3A_55 = arith.constant 0 : index
      %swap3A_56 = vector.load %arg7[%swap3A_54, %swap3A_55] : memref<128x128xf32, #tpu.memory_space<vmem>>, vector<128x128xf32>
      tpu.vector_store %arg7[%swap3A_54, %swap3A_55], %broadcast_in_dim3A_53 {strides = array<i32>} : memref<128x128xf32, #tpu.memory_space<vmem>>, vector<128x128xf32>,
      %broadcast_in_dim3A_57 = arith.constant 0.000000e+00 : f32
      %broadcast_in_dim3A_58 = vector.broadcast %broadcast_in_dim3A_57 : f32 to vector<128x128xf32>
      %swap3A_59 = arith.constant 0 : index
      %swap3A_60 = arith.constant 0 : index
      %swap3A_61 = vector.load %arg8[%swap3A_59, %swap3A_60] : memref<128x128xf32, #tpu.memory_space<vmem>>, vector<128x128xf32>
      tpu.vector_store %arg8[%swap3A_59, %swap3A_60], %broadcast_in_dim3A_58 {strides = array<i32>} : memref<128x128xf32, #tpu.memory_space<vmem>>, vector<128x128xf32>,
    } else {
    }
    %get3A = arith.constant 0 : index
    %get3A_2 = arith.constant 0 : index
    %get3A_3 = arith.constant 0 : index
    %get3A_4 = vector.load %arg1[%get3A, %get3A_2, %get3A_3] : memref<2x2000x128xf32, #tpu.memory_space<vmem>>, vector<1x2000x128xf32>
    %get3A_5 = vector.shape_cast %get3A_4 : vector<1x2000x128xf32> to vector<2000x128xf32>
    %get3A_6 = arith.constant 1 : index
    %get3A_7 = arith.constant 0 : index
    %get3A_8 = arith.constant 0 : index
    %get3A_9 = vector.load %arg1[%get3A_6, %get3A_7, %get3A_8] : memref<2x2000x128xf32, #tpu.memory_space<vmem>>, vector<1x2000x128xf32>
    %get3A_10 = vector.shape_cast %get3A_9 : vector<1x2000x128xf32> to vector<2000x128xf32>
    %add3A = arith.addf %get3A_5, %get3A_10 : vector<2000x128xf32>
    %get3A_11 = arith.constant 0 : index
    %get3A_12 = arith.constant 0 : index
    %get3A_13 = vector.load %arg2[%get3A_11, %get3A_12] : memref<2000x128xf32, #tpu.memory_space<vmem>>, vector<2000x128xf32>
    %add3A_14 = arith.addf %add3A, %get3A_13 : vector<2000x128xf32>
    %get3A_15 = arith.constant 0 : index
    %get3A_16 = arith.constant 0 : index
    %get3A_17 = vector.load %arg3[%get3A_15, %get3A_16] : memref<128x128xf32, #tpu.memory_space<vmem>>, vector<128x128xf32>
    %dot_general3A = arith.constant dense<0.000000e+00> : vector<2000x128xf32>
    %dot_general3A_18 = tpu.matmul %add3A_14, %get3A_17, %dot_general3A {dimension_numbers = #tpu.dot_dimension_numbers<[1], [0], [0], [1], [0, 0, 1, 1], [], []>, transpose_lhs_hint = false} : vector<2000x128xf32>, vector<128x128xf32>, vector<2000x128xf32> -> vector<2000x128xf32>
    %max3A = arith.constant 0.000000e+00 : f32
    %max3A_19 = vector.broadcast %max3A : f32 to vector<2000x128xf32>
    %max3A_20 = arith.maximumf %dot_general3A_18, %max3A_19 : vector<2000x128xf32>
    %get3A_21 = arith.constant 0 : index
    %get3A_22 = arith.constant 0 : index
    %get3A_23 = vector.load %arg4[%get3A_21, %get3A_22] : memref<2000x1xi32, #tpu.memory_space<vmem>>, vector<2000x1xi32>
    %iota3A = tpu.iota {dimensions = array<i32: 1>} : vector<1x128xi32>
    %eq3A_24 = vector.broadcast %get3A_23 : vector<2000x1xi32> to vector<2000x128xi32>
    %eq3A_25 = vector.broadcast %iota3A : vector<1x128xi32> to vector<2000x128xi32>
    %eq3A_26 = arith.cmpi eq, %eq3A_24, %eq3A_25 : vector<2000x128xi32>
    %convert_element_type3A_27 = arith.extui %eq3A_26 : vector<2000x128xi1> to vector<2000x128xi32>
    %convert_element_type3A_28 = arith.sitofp %convert_element_type3A_27 : vector<2000x128xi32> to vector<2000x128xf32>
    %get3A_29 = arith.constant 0 : index
    %get3A_30 = arith.constant 0 : index
    %get3A_31 = vector.load %arg7[%get3A_29, %get3A_30] : memref<128x128xf32, #tpu.memory_space<vmem>>, vector<128x128xf32>
    %dot_general3A_32 = arith.constant dense<0.000000e+00> : vector<128x128xf32>
    %dot_general3A_33 = tpu.matmul %convert_element_type3A_28, %max3A_20, %dot_general3A_32 {dimension_numbers = #tpu.dot_dimension_numbers<[0], [0], [1], [1], [0, 1, 1, 1], [], []>, transpose_lhs_hint = false} : vector<2000x128xf32>, vector<2000x128xf32>, vector<128x128xf32> -> vector<128x128xf32>
    %add3A_34 = arith.addf %get3A_31, %dot_general3A_33 : vector<128x128xf32>
    %swap3A = arith.constant 0 : index
    %swap3A_35 = arith.constant 0 : index
    %swap3A_36 = vector.load %arg7[%swap3A, %swap3A_35] : memref<128x128xf32, #tpu.memory_space<vmem>>, vector<128x128xf32>
    tpu.vector_store %arg7[%swap3A, %swap3A_35], %add3A_34 {strides = array<i32>} : memref<128x128xf32, #tpu.memory_space<vmem>>, vector<128x128xf32>,
    %get3A_37 = arith.constant 0 : index
    %get3A_38 = arith.constant 0 : index
    %get3A_39 = vector.load %arg8[%get3A_37, %get3A_38] : memref<128x128xf32, #tpu.memory_space<vmem>>, vector<128x128xf32>
    %broadcast_in_dim3A = arith.constant 1.000000e+00 : f32
    %broadcast_in_dim3A_40 = vector.broadcast %broadcast_in_dim3A : f32 to vector<2000x128xf32>
    %dot_general3A_41 = arith.constant dense<0.000000e+00> : vector<128x128xf32>
    %dot_general3A_42 = tpu.matmul %convert_element_type3A_28, %broadcast_in_dim3A_40, %dot_general3A_41 {dimension_numbers = #tpu.dot_dimension_numbers<[0], [0], [1], [1], [0, 1, 1, 1], [], []>, transpose_lhs_hint = false} : vector<2000x128xf32>, vector<2000x128xf32>, vector<128x128xf32> -> vector<128x128xf32>
    %add3A_43 = arith.addf %get3A_39, %dot_general3A_42 : vector<128x128xf32>
    %swap3A_44 = arith.constant 0 : index
    %swap3A_45 = arith.constant 0 : index
    %swap3A_46 = vector.load %arg8[%swap3A_44, %swap3A_45] : memref<128x128xf32, #tpu.memory_space<vmem>>, vector<128x128xf32>
    tpu.vector_store %arg8[%swap3A_44, %swap3A_45], %add3A_43 {strides = array<i32>} : memref<128x128xf32, #tpu.memory_space<vmem>>, vector<128x128xf32>,
    %eq3A_47 = arith.constant 4 : i32
    %eq3A_48 = arith.cmpi eq, %arg0, %eq3A_47 : i32
    %convert_element_type3A_49 = arith.extui %eq3A_48 : i1 to i32
    %cond3A_50 = arith.constant 0 : i32
    %cond3A_51 = arith.cmpi ne, %convert_element_type3A_49, %cond3A_50 : i32
    scf.if %cond3A_51 {
      %get3A_52 = arith.constant 0 : index
      %get3A_53 = arith.constant 0 : index
      %get3A_54 = vector.load %arg7[%get3A_52, %get3A_53] : memref<128x128xf32, #tpu.memory_space<vmem>>, vector<128x128xf32>
      %get3A_55 = arith.constant 0 : index
      %get3A_56 = arith.constant 0 : index
      %get3A_57 = vector.load %arg8[%get3A_55, %get3A_56] : memref<128x128xf32, #tpu.memory_space<vmem>>, vector<128x128xf32>
      %max3A_58 = arith.constant 1.000000e+00 : f32
      %max3A_59 = vector.broadcast %max3A_58 : f32 to vector<128x128xf32>
      %max3A_60 = arith.maximumf %get3A_57, %max3A_59 : vector<128x128xf32>
      %div3A = arith.divf %get3A_54, %max3A_60 : vector<128x128xf32>
      %get3A_61 = arith.constant 0 : index
      %get3A_62 = arith.constant 0 : index
      %get3A_63 = vector.load %arg5[%get3A_61, %get3A_62] : memref<128x16xf32, #tpu.memory_space<vmem>>, vector<128x16xf32>
      %dot_general3A_64 = arith.constant dense<0.000000e+00> : vector<128x16xf32>
      %dot_general3A_65 = tpu.matmul %div3A, %get3A_63, %dot_general3A_64 {dimension_numbers = #tpu.dot_dimension_numbers<[1], [0], [0], [1], [0, 0, 1, 1], [], []>, transpose_lhs_hint = false} : vector<128x128xf32>, vector<128x16xf32>, vector<128x16xf32> -> vector<128x16xf32>
      %swap3A_66 = arith.constant 0 : index
      %swap3A_67 = arith.constant 0 : index
      %swap3A_68 = vector.load %arg6[%swap3A_66, %swap3A_67] : memref<128x16xf32, #tpu.memory_space<vmem>>, vector<128x16xf32>
      tpu.vector_store %arg6[%swap3A_66, %swap3A_67], %dot_general3A_65 {strides = array<i32>} : memref<128x16xf32, #tpu.memory_space<vmem>>, vector<128x16xf32>,
    } else {
    }
    return
  }
  func.func @transform_0(%arg0: i32) -> (i32, i32, i32) {
    %c0_i32 = arith.constant 0 : i32
    %c0_i32_0 = arith.constant 0 : i32
    %c0_i32_1 = arith.constant 0 : i32
    return %c0_i32, %arg0, %c0_i32_0 : i32, i32, i32
  }
  func.func @transform_1(%arg0: i32) -> (i32, i32) {
    %c0_i32 = arith.constant 0 : i32
    %c0_i32_0 = arith.constant 0 : i32
    return %arg0, %c0_i32 : i32, i32
  }
  func.func @transform_2(%arg0: i32) -> (i32, i32) {
    %c0_i32 = arith.constant 0 : i32
    %c0_i32_0 = arith.constant 0 : i32
    %c0_i32_1 = arith.constant 0 : i32
    return %c0_i32, %c0_i32_0 : i32, i32
  }
  func.func @transform_3(%arg0: i32) -> (i32, i32) {
    %c0_i32 = arith.constant 0 : i32
    %c0_i32_0 = arith.constant 0 : i32
    return %arg0, %c0_i32 : i32, i32
  }
  func.func @transform_4(%arg0: i32) -> (i32, i32) {
    %c0_i32 = arith.constant 0 : i32
    %c0_i32_0 = arith.constant 0 : i32
    %c0_i32_1 = arith.constant 0 : i32
    return %c0_i32, %c0_i32_0 : i32, i32
  }
  func.func @transform_5(%arg0: i32) -> (i32, i32) {
    %c0_i32 = arith.constant 0 : i32
    %c0_i32_0 = arith.constant 0 : i32
    %c0_i32_1 = arith.constant 0 : i32
    return %c0_i32, %c0_i32_0 : i32, i32
  }
}

</mosaic_0001>

<sc_bundles>
// kernel: kernel.12.cloned.1.call-start
scs
__scs_entry_jumppad:
0x0: {  	(pc) =	sbr.rel $0x88, $3  }
0x1: {  	(tag) =	ssettag $0x0;
	lr =	simm.s32 $0x1  }
0x2: {  	[smem:$0x3F94] =	sst lr;
	_ =	strace $0xD0000000  }
0x3: {  	_ = 	snop  }
0x4: {  	_ = 	snop  }
0x5: {  	_ = 	snop  }
0x6: {  	_ = 	snop  }
0x7: {  	_ = 	snop  }
__scs_overlays_trampoline_lowered:
0x8: {  	[smem:$0x3FA3] =	sst s0  }
0x9: {  	[smem:$0x3FA4] =	sst s1  }
0xa: {  	[smem:$0x3FA5] =	sst s2  }
0xb: {  	[smem:$0x3FA6] =	sst s3  }
0xc: {  	[smem:$0x3FA7] =	sst s4  }
0xd: {  	[smem:$0x3FA8] =	sst s5  }
0xe: {  	[smem:$0x3FA9] =	sst s6  }
0xf: {  	[smem:$0x3FAA] =	sst s7  }
0x10: {  	[smem:$0x3FAB] =	sst s8  }
0x11: {  	[smem:$0x3FAC] =	sst s9;
	s0 =	simm.s32 @!p0 $0x0  }
0x12: {  	s1 =	sld [smem:$0x3F92];
	s0 =	simm.s32 @p0 $0x1  }
0x13: {  	[smem:$0x3FAD] =	sst s0;
	s0 =	simm.s32 @!p1 $0x0  }
0x14: {  	s2 =	sld [smem:$0x3F91];
	s0 =	simm.s32 @p1 $0x1  }
0x15: {  	[smem:$0x3FAE] =	sst s0;
	s0 =	simm.s32 @!p2 $0x0  }
0x16: {  	s3 =	sld [smem:$0x3FDB];
	s0 =	simm.s32 @p2 $0x1  }
0x17: {  	s4 =	simm.s32 $0x1BF5;
	[smem:$0x3FB0] =	sst s0  }
0x18: {  	s0 =	sld [smem:$0x3F93];
	_ =	swait.ge [sflag:s4], $0x0  }
0x19: {  	s7 =	sld [smem:$0x3F94]  }
0x1a: {  	s8 =	sadd.s32 $0xFFFFE003, lr  }
0x1b: {  	s9 =	sadd.s32 $0xFFFFFEF7, lr;
	s5 =	simm.s32 $0xFFFFFFFF;
	p2 =	slt.u32 s8, $0xFFFFF086  }
0x1c: {  	p1 =	slt.u32 s9, $0xF7A;
	s5 =	simm.s32 @!p2 $0x0  }
0x1d: {  	s5 =	simm.s32 @p1 $0x1;
	p0 =	seq.s32 s7, s2  }
0x1e: {  	s7 =	smul.u32 @!p0 $0xF7A, s2;
	p2 =	seq.s32 @!p0 s5, $0x0  }
0x1f: {  	s9 =	smul.u32 $0xF7A, s1;
	s8 =	simm.s32 @!p0 $0x1BF5;
	p2 =	por !p2, p0  }
0x20: {  	[sflag:s8] =	ssyncset.s32 @!p0 $0xFFFFF086;
	s6 =	sadd.s32 @!p0 s3, s7;
	s7 =	simm.s32 @!p0 $0x108  }
0x21: {  	s3 =	sadd.s32 s3, s9;
	s6 =	sadd.s32 @!p0 $0x88, s6;
	s7 =	simm.s32 @p2 $0x1082  }
0x22: {  	[simem:s7], [sflag:s8] =	dma.local @!p0 [hbm:s6], $0xF7A  }
0x23: {  	s9 =	sor.u32 $0xD0000000, s2;
	s6 =	simm.s32 $0x108;
	_ =	swait.ge @!p0 [sflag:s8], $0x0  }
0x24: {  	s3 =	sadd.s32 $0x88, s3;
	s6 =	simm.s32 @!p1 $0x1082;
	[sflag:s4] =	ssyncset.s32 $0xFFFFF086  }
0x25: {  	[simem:s6], [sflag:s4] =	dma.local [hbm:s3], $0xF7A  }
0x26: {  	[smem:$0x3F94] =	sst s1;
	(tag) =	ssettag s2;
	_ =	strace s9  }
0x27: {  	s1 =	sld [smem:$0x3FA4]  }
0x28: {  	s2 =	sld [smem:$0x3FA5]  }
0x29: {  	s4 =	sld [smem:$0x3FA7]  }
0x2a: {  	p0 =	seq.s32 s5, $0x0;
	s5 =	sld [smem:$0x3FA8]  }
0x2b: {  	s6 =	sld [smem:$0x3FA9]  }
0x2c: {  	s7 =	sld [smem:$0x3FAA]  }
0x2d: {  	s3 =	simm.s32 $0x108;
	s8 =	sld [smem:$0x3FAB]  }
0x2e: {  	s3 =	simm.s32 @!p0 $0x1082;
	s9 =	sld [smem:$0x3FAC]  }
0x2f: {  	lr =	sadd.s32 s0, s3;
	s0 =	sld [smem:$0x3FA3]  }
0x30: {  	s3 =	sld [smem:$0x3FA6]  }
0x31: {  	[smem:$0x3FAF] =	sst s10  }
0x32: {  	s10 =	sld [smem:$0x3FAD];
	_ =	sdelay $0x3  }
0x33: {  	p0 =	seq.s32 s10, $0x1;
	s10 =	sld [smem:$0x3FAF];
	_ =	sdelay $0x3  }
0x34: {  	[smem:$0x3FAF] =	sst s10  }
0x35: {  	s10 =	sld [smem:$0x3FAE];
	_ =	sdelay $0x3  }
0x36: {  	p1 =	seq.s32 s10, $0x1;
	s10 =	sld [smem:$0x3FAF];
	_ =	sdelay $0x3  }
0x37: {  	[smem:$0x3FAF] =	sst s10  }
0x38: {  	s10 =	sld [smem:$0x3FB0]  }
0x39: {  	_ = 	snop;
	(pc) =	sbr.ind lr, $3  }
0x3a: {  	_ = 	snop  }
0x3b: {  	_ = 	snop  }
0x3c: {  	p2 =	seq.s32 s10, $0x1;
	s10 =	sld [smem:$0x3FAF]  }
0x3d: {  	_ =	shalt  }
0x3e: {  	_ =	shalt  }
0x3f: {  	_ =	shalt  }
0x40: {  	_ =	shalt  }
0x41: {  	_ =	shalt  }
0x42: {  	_ =	shalt  }
0x43: {  	_ =	shalt  }
0x44: {  	_ =	shalt  }
0x45: {  	_ =	shalt  }
0x46: {  	_ =	shalt  }
0x47: {  	_ =	shalt  }
0x48: {  	_ =	shalt  }
0x49: {  	_ =	shalt  }
0x4a: {  	_ =	shalt  }
0x4b: {  	_ =	shalt  }
0x4c: {  	_ =	shalt  }
0x4d: {  	_ =	shalt  }
0x4e: {  	_ =	shalt  }
0x4f: {  	_ =	shalt  }
0x50: {  	_ =	shalt  }
0x51: {  	_ =	shalt  }
0x52: {  	_ =	shalt  }
0x53: {  	_ =	shalt  }
0x54: {  	_ =	shalt  }
0x55: {  	_ =	shalt  }
0x56: {  	_ =	shalt  }
0x57: {  	_ =	shalt  }
0x58: {  	_ =	shalt  }
0x59: {  	_ =	shalt  }
0x5a: {  	_ =	shalt  }
0x5b: {  	_ =	shalt  }
0x5c: {  	_ =	shalt  }
0x5d: {  	_ =	shalt  }
0x5e: {  	_ =	shalt  }
0x5f: {  	_ =	shalt  }
0x60: {  	_ =	shalt  }
0x61: {  	_ =	shalt  }
0x62: {  	_ =	shalt  }
0x63: {  	_ =	shalt  }
0x64: {  	_ =	shalt  }
0x65: {  	_ =	shalt  }
0x66: {  	_ =	shalt  }
0x67: {  	_ =	shalt  }
0x68: {  	_ =	shalt  }
0x69: {  	_ =	shalt  }
0x6a: {  	_ =	shalt  }
0x6b: {  	_ =	shalt  }
0x6c: {  	_ =	shalt  }
0x6d: {  	_ =	shalt  }
0x6e: {  	_ =	shalt  }
0x6f: {  	_ =	shalt  }
0x70: {  	_ =	shalt  }
0x71: {  	_ =	shalt  }
0x72: {  	_ =	shalt  }
0x73: {  	_ =	shalt  }
0x74: {  	_ =	shalt  }
0x75: {  	_ =	shalt  }
0x76: {  	_ =	shalt  }
0x77: {  	_ =	shalt  }
0x78: {  	_ =	shalt  }
0x79: {  	_ =	shalt  }
0x7a: {  	_ =	shalt  }
0x7b: {  	_ =	shalt  }
0x7c: {  	_ =	shalt  }
0x7d: {  	_ =	shalt  }
0x7e: {  	_ =	shalt  }
0x7f: {  	_ =	shalt  }
0x80: {  	_ =	shalt  }
0x81: {  	_ =	shalt  }
0x82: {  	_ =	shalt  }
0x83: {  	_ =	shalt  }
0x84: {  	_ =	shalt  }
0x85: {  	_ =	shalt  }
0x86: {  	_ =	shalt  }
0x87: {  	_ =	shalt  }
.Lfunc_end0:
.L_simem_size_0:
called_computation.1_lowered:
.L_overlay_start_0:
0x88: {  	s2 =	sld [smem:$0x3FD9]  }
0x89: {  	s3 =	sld [smem:$0x3FFE];
	_ =	sdelay $0x1  }
0x8a: {  	s1 =	srdreg.scid  }
0x8b: {  	s0 =	sand.u32 $0x1, s1  }
0x8c: {  	s16 =	sshll.u32 s0, $0xA;
	s2 =	sadd.s32 s3, s2  }
0x8d: {  	s2 =	sadd.s32 s2, s16  }
0x8e: {  	[smem:$0x3FBB] =	sst s2  }
0x8f: {  	_ = 	snop  }
0x90: {  	(tm) =	ssettm $0x1  }
0x91: {  	s17 =	sld [smem:$0x3FFB];
	_ =	sdelay $0x3  }
0x92: {  	_ =	strace s17  }
0x93: {  	s2 =	sld [smem:$0x3FFC];
	_ =	sdelay $0x3  }
0x94: {  	_ =	strace s2  }
0x95: {  	s2 =	sld [smem:$0x3FFD];
	_ =	sdelay $0x3  }
0x96: {  	_ =	strace s2  }
0x97: {  	_ =	strace $0x8FFFFFFF  }
0x98: {  	s18 =	sld [smem:$0x3FDB];
	_ =	sdelay $0x1  }
0x99: {  	s19 =	simm.s32 $_scs_section_size  }
0x9a: {  	s4 =	simm.s32 $_size__tile_overlayer_lowered;
	s5 =	simm.s32 $_tile_overlayer_lowered  }
0x9b: {  	s22 =	simm.s32 $0x1BFF;
	s21 =	sshll.u32 s5, $0x1;
	s2 =	sadd.s32 s19, s18  }
0x9c: {  	s6 =	simm.s32 $0x0;
	s20 =	sshll.u32 s4, $0x1;
	s4 =	sadd.s32 s21, s2  }
0x9d: {  	[timem:s6], [sflag:s22] =	dma.local [hbm:s4], s20  }
0x9e: {  	_ =	swait.ge [sflag:s22], s20  }
0x9f: {  	s3 =	ssub.s32 $0x0, s20;
	[sflag:s22] =	ssyncset.done $0x0  }
0xa0: {  	[sflag:s22] =	ssyncadd.s32 s3;
	_ =	sdelay $0x1  }
0xa1: {  	s23 =	simm.s32 $0x1B8B  }
0xa2: {  	_ =	swait.ge [sflag:s23], $0x1  }
0xa3: {  	[sflag:s23] =	ssyncset.done $0x0  }
0xa4: {  	s25 =	simm.s32 $0x1B8E;
	s24 =	sld [smem:$0x3FFE];
	[sflag:s23] =	ssyncadd.s32 $0xFFFFFFFF  }
0xa5: {  	s26 =	simm.s32 $execute0_lowered;
	[smem:$0x3FD2] =	sst s25  }
0xa6: {  	s4 =	sshll.u32 s26, $0x1;
	_ =	strace $0x80000049;
	[dreg:$0x1] =	wrdreg $0xFFFFFFFF  }
0xa7: {  	s28 =	simm.s32 $_size_execute0_lowered;
	s2 =	sadd.s32 s2, s4;
	[dreg:$0x0] =	wrdreg $0x0  }
0xa8: {  	s4 =	sshll.u32 s28, $0x1;
	[dreg:$0x2] =	wrdreg s2  }
0xa9: {  	[dreg:$0x3] =	wrdreg s4  }
0xaa: {  	[dreg:$0x4] =	wrdreg $0xC0  }
0xab: {  	_ =	task [dreg:s6], $0x5FFFF  }
0xac: {  	[dreg:$0x1] =	wrdreg $0xFFFFFFFF  }
0xad: {  	[dreg:$0x0] =	wrdreg $0x60  }
0xae: {  	[dreg:$0x2] =	wrdreg s24  }
0xaf: {  	[dreg:$0x3] =	wrdreg $0xA8000  }
0xb0: {  	[dreg:$0x4] =	wrdreg $0x9  }
0xb1: {  	_ =	task.clear_ibuf [dreg:s6], $0x5FFFF;
	_ =	strace $0x90000049  }
0xb2: {  	s29 =	simm.s32 $0x9;
	_ =	strace $0x8000004B  }
0xb3: {  	_ =	swait.ge [sflag:s29], $0x1  }
0xb4: {  	[sflag:s29] =	ssyncadd.s32 $0xFFFFFFFF  }
0xb5: {  	_ =	strace $0x9000004B  }
0xb6: {  	_ =	sfence  }
0xb7: {  	s30 =	sld [smem:$0x0];
	_ =	sdelay $0x2  }
0xb8: {  	s31 =	sshll.u32 s1, $0xD;
	s1 =	sshrl.u32 s1, $0x2  }
0xb9: {  	s3 =	sand.u32 $0x4000, s31;
	s1 =	sadd.s32 s1, s30  }
0xba: {  	s0 =	sor.u32 s3, s0;
	s1 =	sshll.u32 s1, $0x11  }
0xbb: {  	s0 =	sor.u32 s1, s0  }
0xbc: {  	s0 =	sadd.s32 $0x8F2B, s0  }
0xbd: {  	[sflag:s0] =	ssyncadd.remote.s32 $0x1  }
0xbe: {  	_ =	sfence.sel $0xFFFF  }
0xbf: {  	[dreg:$0x0] =	wrdreg $0xFFFFFFFF;
	(pc) =	sbr.abs _section_cstart, $3  }
0xc0: {  	[dreg:$0x1] =	wrdreg $0xFFFFFFFF  }
0xc1: {  	_ =	task.clear_ibuf [dreg:s6], $0x2FFFF;
	_ =	strace $0x9FFFFFFF  }
0xc2: {  	(tm) =	ssettm $0x7FFFFFFF  }
0xc3: {  	_ =	shalt  }
tec
execute0_lowered:
.L_overlay_start_1:
0x0: {  	(tag) =	ssettag $0x1  }
0x1: {  	s6 =	rddreg [dreg:$0x0]  }
0x2: {  	s1 =	rddreg [dreg:$0x1]  }
0x3: {  	s0 =	rddreg [dreg:$0x2];
	s3 =	simm.s32 $0x0;
	s4 =	srdreg.scid  }
0x4: {  	s2 =	stileid.u32;
	s16 =	simm.s32 $0x4000;
	s17 =	simm.s32 $0x50  }
0x5: {  	s18 =	simm.s32 $0x8000;
	s19 =	simm.s32 $0x1;
	s20 =	simm.s32 $0x0  }
0x6: {  	[smem:$0x7FF] =	sst s3;
	s7 =	sand.u32 $0x1, s4;
	s9 =	smul.u32 $0x2800, s2  }
0x7: {  	s8 =	sshll.u32 s2, $0xB;
	s4 =	sadd.s32 $0x22800, s6;
	s10 =	smul.u32 $0x50000, s2  }
0x8: {  	s12 =	sadd.s32 $0x70C00, s6;
	s15 =	sadd.s32 $0x12C000, s1;
	p0 =	seq.s32 s2, $0xF  }
0x9: {  	_ =	strace $0x8000004A;
	s5 =	sshll.u32 s7, $0xF;
	s29 =	smul.u32 $0x27100, s7  }
0xa: {  	s26 =	ssub.s32 $0x2, s7;
	s30 =	smul.u32 $0x138800, s7;
	s5 =	sor.u32 s8, s5  }
0xb: {  	s11 =	sadd.s32 s9, s6;
	s13 =	sshrl.u32 s26, $0x1;
	s28 =	sshrl.u32 s10, $0x2  }
0xc: {  	s8 =	sadd.s32 s5, s6;
	s13 =	ssub.s32 s26, s13;
	s14 =	sadd.s32 s28, s1  }
0xd: {  	s5 =	sadd.s32 $0x49A00, s11;
	s6 =	sadd.s32 $0x6F200, s6;
	s9 =	sadd.s32 s9, s29  }
0xe: {  	s31 =	sshrl.u32 s30, $0x3;
	s7 =	sadd.s32 $0x2800, s8;
	s8 =	sadd.s32 $0x12800, s8  }
0xf: {  	s9 =	sadd.s32 s12, s9;
	s10 =	sadd.s32 s12, s31;
	s11 =	smax.u32 s13, $0x1  }
0x10: {  	s13 =	sshll.u32 @!p0 s2, $0x6;
	s12 =	sshrl.u32 @p0 s15, $0x3;
	s14 =	sshrl.u32 @!p0 s14, $0x3  }
0x11: {  	s15 =	simm.s32 $0x2;
	s10 =	sadd.s32 $0x25800, s10;
	s13 =	sor.u32 @!p0 $0x1C02, s13  }
.LBB2_1:
0x12: {  	s21 =	simm.s32 @p0 $0x1FC2  }
0x13: {  	[spmem:s12], [sflag:s21] =	dma.local @p0 [hbm:s6], $0x1900  }
0x14: {  	s21 =	simm.s32 @p0 $0x2  }
0x15: {  	_ =	swait.ge @p0 [sflag:s21], $0x1900  }
0x16: {  	[sflag:s21] =	ssyncset.done @p0 $0x0  }
0x17: {  	[sflag:s21] =	ssyncadd.s32 @p0 $0xFFFFE700;
	s21 =	simm.s32 @!p0 $0x2  }
0x18: {  	[spmem:s14], [sflag:s13] =	dma.local @!p0 [hbm:s5], $0x2800  }
0x19: {  	_ =	swait.ge @!p0 [sflag:s21], $0x2800  }
0x1a: {  	[sflag:s21] =	ssyncset.done @!p0 $0x0  }
0x1b: {  	[sflag:s21] =	ssyncadd.s32 @!p0 $0xFFFFD800  }
0x1c: {  	[tilespmem:s3], [sflag:$0x2] =	stream.linear.gather [hbm4b:s7+s3], $0x3E80, $0x38;
	[tilespmem:$0x1E080] =	vst v63  }
0x1d: {  	_ =	swait.ge [sflag:s15], $0x3E80  }
0x1e: {  	[sflag:s15] =	ssyncset.done $0x0  }
0x1f: {  	[sflag:s15] =	ssyncadd.s32 $0xFFFFC180  }
0x20: {  	[tilespmem:s16], [sflag:$0x2] =	stream.linear.gather [hbm4b:s8+s3], $0x3E80, $0x38;
	[tilespmem:$0x1E080] =	vst v63  }
0x21: {  	_ =	swait.ge [sflag:s15], $0x3E80  }
0x22: {  	[sflag:s15] =	ssyncset.done $0x0  }
0x23: {  	[sflag:s15] =	ssyncadd.s32 $0xFFFFC180  }
0x24: {  	s30 =	simm.s32 $0x0;
	[bflag:$0x0] =	sbarrier.arrive $0xFFFF  }
0x25: {  	[tilespmem:s18], [sflag:$0x1] =	stream.indirect.gather [hbm4b:s4+s17], $0x80, s30, s17, $0xb8;
	[tilespmem:$0x1E080] =	vst v63  }
0x26: {  	_ =	swait.ge [sflag:s19], $0x2800  }
0x27: {  	[sflag:s19] =	ssyncset.done $0x0  }
0x28: {  	s31 =	simm.s32 $0x4000;
	[sflag:s19] =	ssyncadd.s32 $0xFFFFD800  }
0x29: {  	[spmem:s1] =	stream.indirect.scatter.add.f32 [tilespmem:s18], [sflag:$0x2], $0x80, s31, s17, $0xb8;
	[tilespmem:$0x1E080] =	vst v63  }
0x2a: {  	_ =	swait.ge [sflag:s15], $0x2800  }
0x2b: {  	s22 =	simm.s32 $0x400;
	s21 =	simm.s32 $0x200;
	[sflag:s15] =	ssyncset.done $0x0  }
.LBB2_2:
0x2c: {  	s23 =	sshra.s32 s21, $0x2  }
0x2d: {  	[sflag:s15] =	ssyncadd.s32 $0xFFFFD800;
	s21 =	smov.u32 s22;
	s24 =	sadd.s32 $0x200, s22  }
0x2e: {  	[tilespmem:s18], [sflag:$0x1] =	stream.indirect.gather [hbm4b:s4+s17], $0x80, s23, s17, $0xb8;
	[tilespmem:$0x1E080] =	vst v63  }
0x2f: {  	p1 =	sne.s32 s22, $0xF800;
	_ =	swait.ge [sflag:s19], $0x2800  }
.Ltmp0:
0x30: {  	[sflag:s19] =	ssyncset.done $0x0;
	(pc) =	sbr.rel @p1 .LBB2_2-.Ltmp0, $4  }
0x31: {  	s22 =	sadd.s32 $0x4000, s23;
	[sflag:s19] =	ssyncadd.s32 $0xFFFFD800  }
0x32: {  	[spmem:s1] =	stream.indirect.scatter.add.f32 [tilespmem:s18], [sflag:$0x2], $0x80, s22, s17, $0xb8;
	[tilespmem:$0x1E080] =	vst v63  }
0x33: {  	_ =	swait.ge [sflag:s15], $0x2800  }
0x34: {  	s22 =	smov.u32 s24;
	[sflag:s15] =	ssyncset.done $0x0  }
0x35: {  	s21 =	sshra.s32 s21, $0x2;
	[sflag:s15] =	ssyncadd.s32 $0xFFFFD800  }
0x36: {  	[tilespmem:s18], [sflag:$0x1] =	stream.indirect.gather [hbm4b:s4+s17], $0x80, s21, s17, $0xb8;
	[tilespmem:$0x1E080] =	vst v63  }
0x37: {  	_ =	swait.ge [sflag:s19], $0x2800  }
0x38: {  	[sflag:s19] =	ssyncset.done $0x0  }
0x39: {  	s21 =	sadd.s32 $0x4000, s21;
	[sflag:s19] =	ssyncadd.s32 $0xFFFFD800  }
0x3a: {  	[spmem:s1] =	stream.indirect.scatter.add.f32 [tilespmem:s18], [sflag:$0x2], $0x80, s21, s17, $0xb8;
	[tilespmem:$0x1E080] =	vst v63  }
0x3b: {  	_ =	swait.ge [sflag:s15], $0x2800  }
0x3c: {  	[sflag:s15] =	ssyncset.done $0x0  }
0x3d: {  	[sflag:s15] =	ssyncadd.s32 $0xFFFFD800  }
0x3e: {  	s21 =	simm.s32 @p0 $0x1FC2;
	[bflag:$0x0] =	sbarrier.arrive $0xFFFF  }
0x3f: {  	[hbm:s10], [sflag:s21] =	dma.local @p0 [spmem:s12], $0x1900  }
0x40: {  	s21 =	simm.s32 @p0 $0x2  }
0x41: {  	s20 =	sadd.s32 $0x1, s20;
	_ =	swait.ge @p0 [sflag:s21], $0x1900  }
0x42: {  	p1 =	sne.s32 s20, s11;
	[sflag:s21] =	ssyncset.done @p0 $0x0  }
.Ltmp1:
0x43: {  	[sflag:s21] =	ssyncadd.s32 @p0 $0xFFFFE700;
	s21 =	simm.s32 @!p0 $0x2;
	(pc) =	sbr.rel @p1 .LBB2_1-.Ltmp1, $4  }
0x44: {  	[hbm:s9], [sflag:s13] =	dma.local @!p0 [spmem:s14], $0x2800  }
0x45: {  	_ =	swait.ge @!p0 [sflag:s21], $0x2800  }
0x46: {  	[sflag:s21] =	ssyncset.done @!p0 $0x0  }
0x47: {  	[sflag:s21] =	ssyncadd.s32 @!p0 $0xFFFFD800  }
0x48: {  	_ =	sfence.sel $0x180000  }
0x49: {  	[bflag:$0x0] =	sbarrier.arrive $0xFFFF  }
0x4a: {  	p0 =	sne.s32 s2, $0x0;
	_ =	strace $0x9000004A  }
0x4b: {  	s0 =	sadd.s32 @!p0 $0x100000, s0;
	[bflag:$0x2] =	sbarrier.arrive $0xFFFF  }
0x4c: {  	[sflag:s0] =	ssyncadd.tile.s32 @!p0 $0x1;
	_ =	shalt  }
.Lfunc_end2:
_tile_overlayer_lowered:
.L_overlay_start_2:
0x4d: {  	(tag) =	ssettag $0x2  }
0x4e: {  	s0 =	rddreg [dreg:$0x0];
	s2 =	stileid.u32  }
0x4f: {  	s1 =	rddreg [dreg:$0x1];
	p0 =	sne.s32 s2, $0x0  }
0x50: {  	s3 =	rddreg [dreg:$0x2];
	[bflag:$0x3] =	sbarrier.arrive $0xFFFF;
	s2 =	simm.s32 @!p0 $0x1C02  }
0x51: {  	[timem:s3], [sflag:s2] =	dma.local @!p0 [hbm:s0], s1  }
0x52: {  	s0 =	simm.s32 @!p0 $0x2  }
0x53: {  	_ =	swait.ge @!p0 [sflag:s0], s1  }
0x54: {  	s1 =	ssub.s32 @!p0 $0x0, s1;
	[sflag:s0] =	ssyncset.done @!p0 $0x0  }
0x55: {  	[sflag:s0] =	ssyncadd.s32 @!p0 s1  }
0x56: {  	[bflag:$0x3] =	sbarrier.arrive $0xFFFF  }
0x57: {  	_ =	shalt  }

// kernel: kernel.15.cloned.1.call-start
scs
__scs_entry_jumppad:
0x0: {  	(pc) =	sbr.rel $0x88, $3  }
0x1: {  	(tag) =	ssettag $0x0;
	lr =	simm.s32 $0x1  }
0x2: {  	[smem:$0x3F94] =	sst lr;
	_ =	strace $0xD0000000  }
0x3: {  	_ = 	snop  }
0x4: {  	_ = 	snop  }
0x5: {  	_ = 	snop  }
0x6: {  	_ = 	snop  }
0x7: {  	_ = 	snop  }
__scs_overlays_trampoline_lowered:
0x8: {  	[smem:$0x3FA3] =	sst s0  }
0x9: {  	[smem:$0x3FA4] =	sst s1  }
0xa: {  	[smem:$0x3FA5] =	sst s2  }
0xb: {  	[smem:$0x3FA6] =	sst s3  }
0xc: {  	[smem:$0x3FA7] =	sst s4  }
0xd: {  	[smem:$0x3FA8] =	sst s5  }
0xe: {  	[smem:$0x3FA9] =	sst s6  }
0xf: {  	[smem:$0x3FAA] =	sst s7  }
0x10: {  	[smem:$0x3FAB] =	sst s8  }
0x11: {  	[smem:$0x3FAC] =	sst s9;
	s0 =	simm.s32 @!p0 $0x0  }
0x12: {  	s1 =	sld [smem:$0x3F92];
	s0 =	simm.s32 @p0 $0x1  }
0x13: {  	[smem:$0x3FAD] =	sst s0;
	s0 =	simm.s32 @!p1 $0x0  }
0x14: {  	s2 =	sld [smem:$0x3F91];
	s0 =	simm.s32 @p1 $0x1  }
0x15: {  	[smem:$0x3FAE] =	sst s0;
	s0 =	simm.s32 @!p2 $0x0  }
0x16: {  	s3 =	sld [smem:$0x3FDB];
	s0 =	simm.s32 @p2 $0x1  }
0x17: {  	s4 =	simm.s32 $0x1BF5;
	[smem:$0x3FB0] =	sst s0  }
0x18: {  	s0 =	sld [smem:$0x3F93];
	_ =	swait.ge [sflag:s4], $0x0  }
0x19: {  	s7 =	sld [smem:$0x3F94]  }
0x1a: {  	s8 =	sadd.s32 $0xFFFFE003, lr  }
0x1b: {  	s9 =	sadd.s32 $0xFFFFFEF7, lr;
	s5 =	simm.s32 $0xFFFFFFFF;
	p2 =	slt.u32 s8, $0xFFFFF086  }
0x1c: {  	p1 =	slt.u32 s9, $0xF7A;
	s5 =	simm.s32 @!p2 $0x0  }
0x1d: {  	s5 =	simm.s32 @p1 $0x1;
	p0 =	seq.s32 s7, s2  }
0x1e: {  	s7 =	smul.u32 @!p0 $0xF7A, s2;
	p2 =	seq.s32 @!p0 s5, $0x0  }
0x1f: {  	s9 =	smul.u32 $0xF7A, s1;
	s8 =	simm.s32 @!p0 $0x1BF5;
	p2 =	por !p2, p0  }
0x20: {  	[sflag:s8] =	ssyncset.s32 @!p0 $0xFFFFF086;
	s6 =	sadd.s32 @!p0 s3, s7;
	s7 =	simm.s32 @!p0 $0x108  }
0x21: {  	s3 =	sadd.s32 s3, s9;
	s6 =	sadd.s32 @!p0 $0x88, s6;
	s7 =	simm.s32 @p2 $0x1082  }
0x22: {  	[simem:s7], [sflag:s8] =	dma.local @!p0 [hbm:s6], $0xF7A  }
0x23: {  	s9 =	sor.u32 $0xD0000000, s2;
	s6 =	simm.s32 $0x108;
	_ =	swait.ge @!p0 [sflag:s8], $0x0  }
0x24: {  	s3 =	sadd.s32 $0x88, s3;
	s6 =	simm.s32 @!p1 $0x1082;
	[sflag:s4] =	ssyncset.s32 $0xFFFFF086  }
0x25: {  	[simem:s6], [sflag:s4] =	dma.local [hbm:s3], $0xF7A  }
0x26: {  	[smem:$0x3F94] =	sst s1;
	(tag) =	ssettag s2;
	_ =	strace s9  }
0x27: {  	s1 =	sld [smem:$0x3FA4]  }
0x28: {  	s2 =	sld [smem:$0x3FA5]  }
0x29: {  	s4 =	sld [smem:$0x3FA7]  }
0x2a: {  	p0 =	seq.s32 s5, $0x0;
	s5 =	sld [smem:$0x3FA8]  }
0x2b: {  	s6 =	sld [smem:$0x3FA9]  }
0x2c: {  	s7 =	sld [smem:$0x3FAA]  }
0x2d: {  	s3 =	simm.s32 $0x108;
	s8 =	sld [smem:$0x3FAB]  }
0x2e: {  	s3 =	simm.s32 @!p0 $0x1082;
	s9 =	sld [smem:$0x3FAC]  }
0x2f: {  	lr =	sadd.s32 s0, s3;
	s0 =	sld [smem:$0x3FA3]  }
0x30: {  	s3 =	sld [smem:$0x3FA6]  }
0x31: {  	[smem:$0x3FAF] =	sst s10  }
0x32: {  	s10 =	sld [smem:$0x3FAD];
	_ =	sdelay $0x3  }
0x33: {  	p0 =	seq.s32 s10, $0x1;
	s10 =	sld [smem:$0x3FAF];
	_ =	sdelay $0x3  }
0x34: {  	[smem:$0x3FAF] =	sst s10  }
0x35: {  	s10 =	sld [smem:$0x3FAE];
	_ =	sdelay $0x3  }
0x36: {  	p1 =	seq.s32 s10, $0x1;
	s10 =	sld [smem:$0x3FAF];
	_ =	sdelay $0x3  }
0x37: {  	[smem:$0x3FAF] =	sst s10  }
0x38: {  	s10 =	sld [smem:$0x3FB0]  }
0x39: {  	_ = 	snop;
	(pc) =	sbr.ind lr, $3  }
0x3a: {  	_ = 	snop  }
0x3b: {  	_ = 	snop  }
0x3c: {  	p2 =	seq.s32 s10, $0x1;
	s10 =	sld [smem:$0x3FAF]  }
0x3d: {  	_ =	shalt  }
0x3e: {  	_ =	shalt  }
0x3f: {  	_ =	shalt  }
0x40: {  	_ =	shalt  }
0x41: {  	_ =	shalt  }
0x42: {  	_ =	shalt  }
0x43: {  	_ =	shalt  }
0x44: {  	_ =	shalt  }
0x45: {  	_ =	shalt  }
0x46: {  	_ =	shalt  }
0x47: {  	_ =	shalt  }
0x48: {  	_ =	shalt  }
0x49: {  	_ =	shalt  }
0x4a: {  	_ =	shalt  }
0x4b: {  	_ =	shalt  }
0x4c: {  	_ =	shalt  }
0x4d: {  	_ =	shalt  }
0x4e: {  	_ =	shalt  }
0x4f: {  	_ =	shalt  }
0x50: {  	_ =	shalt  }
0x51: {  	_ =	shalt  }
0x52: {  	_ =	shalt  }
0x53: {  	_ =	shalt  }
0x54: {  	_ =	shalt  }
0x55: {  	_ =	shalt  }
0x56: {  	_ =	shalt  }
0x57: {  	_ =	shalt  }
0x58: {  	_ =	shalt  }
0x59: {  	_ =	shalt  }
0x5a: {  	_ =	shalt  }
0x5b: {  	_ =	shalt  }
0x5c: {  	_ =	shalt  }
0x5d: {  	_ =	shalt  }
0x5e: {  	_ =	shalt  }
0x5f: {  	_ =	shalt  }
0x60: {  	_ =	shalt  }
0x61: {  	_ =	shalt  }
0x62: {  	_ =	shalt  }
0x63: {  	_ =	shalt  }
0x64: {  	_ =	shalt  }
0x65: {  	_ =	shalt  }
0x66: {  	_ =	shalt  }
0x67: {  	_ =	shalt  }
0x68: {  	_ =	shalt  }
0x69: {  	_ =	shalt  }
0x6a: {  	_ =	shalt  }
0x6b: {  	_ =	shalt  }
0x6c: {  	_ =	shalt  }
0x6d: {  	_ =	shalt  }
0x6e: {  	_ =	shalt  }
0x6f: {  	_ =	shalt  }
0x70: {  	_ =	shalt  }
0x71: {  	_ =	shalt  }
0x72: {  	_ =	shalt  }
0x73: {  	_ =	shalt  }
0x74: {  	_ =	shalt  }
0x75: {  	_ =	shalt  }
0x76: {  	_ =	shalt  }
0x77: {  	_ =	shalt  }
0x78: {  	_ =	shalt  }
0x79: {  	_ =	shalt  }
0x7a: {  	_ =	shalt  }
0x7b: {  	_ =	shalt  }
0x7c: {  	_ =	shalt  }
0x7d: {  	_ =	shalt  }
0x7e: {  	_ =	shalt  }
0x7f: {  	_ =	shalt  }
0x80: {  	_ =	shalt  }
0x81: {  	_ =	shalt  }
0x82: {  	_ =	shalt  }
0x83: {  	_ =	shalt  }
0x84: {  	_ =	shalt  }
0x85: {  	_ =	shalt  }
0x86: {  	_ =	shalt  }
0x87: {  	_ =	shalt  }
.Lfunc_end0:
.L_simem_size_0:
called_computation.2_lowered:
.L_overlay_start_0:
0x88: {  	s2 =	sld [smem:$0x3FD9]  }
0x89: {  	s3 =	sld [smem:$0x3FFE];
	_ =	sdelay $0x1  }
0x8a: {  	s1 =	srdreg.scid  }
0x8b: {  	s0 =	sand.u32 $0x1, s1  }
0x8c: {  	s16 =	sshll.u32 s0, $0xA;
	s2 =	sadd.s32 s3, s2  }
0x8d: {  	s2 =	sadd.s32 s2, s16  }
0x8e: {  	[smem:$0x3FBB] =	sst s2  }
0x8f: {  	_ = 	snop  }
0x90: {  	(tm) =	ssettm $0x1  }
0x91: {  	s17 =	sld [smem:$0x3FFB];
	_ =	sdelay $0x3  }
0x92: {  	_ =	strace s17  }
0x93: {  	s2 =	sld [smem:$0x3FFC];
	_ =	sdelay $0x3  }
0x94: {  	_ =	strace s2  }
0x95: {  	s2 =	sld [smem:$0x3FFD];
	_ =	sdelay $0x3  }
0x96: {  	_ =	strace s2  }
0x97: {  	_ =	strace $0x8FFFFFFF  }
0x98: {  	s18 =	sld [smem:$0x3FDB];
	_ =	sdelay $0x1  }
0x99: {  	s19 =	simm.s32 $_scs_section_size  }
0x9a: {  	s4 =	simm.s32 $_size__tile_overlayer_lowered;
	s5 =	simm.s32 $_tile_overlayer_lowered  }
0x9b: {  	s22 =	simm.s32 $0x1BFF;
	s21 =	sshll.u32 s5, $0x1;
	s2 =	sadd.s32 s19, s18  }
0x9c: {  	s6 =	simm.s32 $0x0;
	s20 =	sshll.u32 s4, $0x1;
	s4 =	sadd.s32 s21, s2  }
0x9d: {  	[timem:s6], [sflag:s22] =	dma.local [hbm:s4], s20  }
0x9e: {  	_ =	swait.ge [sflag:s22], s20  }
0x9f: {  	s3 =	ssub.s32 $0x0, s20;
	[sflag:s22] =	ssyncset.done $0x0  }
0xa0: {  	[sflag:s22] =	ssyncadd.s32 s3;
	_ =	sdelay $0x1  }
0xa1: {  	s23 =	simm.s32 $0x1B8B  }
0xa2: {  	_ =	swait.ge [sflag:s23], $0x1  }
0xa3: {  	[sflag:s23] =	ssyncset.done $0x0  }
0xa4: {  	s25 =	simm.s32 $0x1B8E;
	s24 =	sld [smem:$0x3FFE];
	[sflag:s23] =	ssyncadd.s32 $0xFFFFFFFF  }
0xa5: {  	s26 =	simm.s32 $execute0_lowered;
	[smem:$0x3FD2] =	sst s25  }
0xa6: {  	s4 =	sshll.u32 s26, $0x1;
	_ =	strace $0x8000004C;
	[dreg:$0x1] =	wrdreg $0xFFFFFFFF  }
0xa7: {  	s28 =	simm.s32 $_size_execute0_lowered;
	s2 =	sadd.s32 s2, s4;
	[dreg:$0x0] =	wrdreg $0x0  }
0xa8: {  	s4 =	sshll.u32 s28, $0x1;
	[dreg:$0x2] =	wrdreg s2  }
0xa9: {  	[dreg:$0x3] =	wrdreg s4  }
0xaa: {  	[dreg:$0x4] =	wrdreg $0xC0  }
0xab: {  	_ =	task [dreg:s6], $0x5FFFF  }
0xac: {  	[dreg:$0x1] =	wrdreg $0xFFFFFFFF  }
0xad: {  	[dreg:$0x0] =	wrdreg $0x60  }
0xae: {  	[dreg:$0x2] =	wrdreg s24  }
0xaf: {  	[dreg:$0x3] =	wrdreg $0xA8000  }
0xb0: {  	[dreg:$0x4] =	wrdreg $0x9  }
0xb1: {  	_ =	task.clear_ibuf [dreg:s6], $0x5FFFF;
	_ =	strace $0x9000004C  }
0xb2: {  	s29 =	simm.s32 $0x9;
	_ =	strace $0x8000004E  }
0xb3: {  	_ =	swait.ge [sflag:s29], $0x1  }
0xb4: {  	[sflag:s29] =	ssyncadd.s32 $0xFFFFFFFF  }
0xb5: {  	_ =	strace $0x9000004E  }
0xb6: {  	_ =	sfence  }
0xb7: {  	s30 =	sld [smem:$0x0];
	_ =	sdelay $0x2  }
0xb8: {  	s31 =	sshll.u32 s1, $0xD;
	s1 =	sshrl.u32 s1, $0x2  }
0xb9: {  	s3 =	sand.u32 $0x4000, s31;
	s1 =	sadd.s32 s1, s30  }
0xba: {  	s0 =	sor.u32 s3, s0;
	s1 =	sshll.u32 s1, $0x11  }
0xbb: {  	s0 =	sor.u32 s1, s0  }
0xbc: {  	s0 =	sadd.s32 $0x8F2B, s0  }
0xbd: {  	[sflag:s0] =	ssyncadd.remote.s32 $0x1  }
0xbe: {  	_ =	sfence.sel $0xFFFF  }
0xbf: {  	[dreg:$0x0] =	wrdreg $0xFFFFFFFF;
	(pc) =	sbr.abs _section_cstart, $3  }
0xc0: {  	[dreg:$0x1] =	wrdreg $0xFFFFFFFF  }
0xc1: {  	_ =	task.clear_ibuf [dreg:s6], $0x2FFFF;
	_ =	strace $0x9FFFFFFF  }
0xc2: {  	(tm) =	ssettm $0x7FFFFFFF  }
0xc3: {  	_ =	shalt  }
tec
execute0_lowered:
.L_overlay_start_1:
0x0: {  	(tag) =	ssettag $0x1  }
0x1: {  	s6 =	rddreg [dreg:$0x0]  }
0x2: {  	s1 =	rddreg [dreg:$0x1]  }
0x3: {  	s0 =	rddreg [dreg:$0x2];
	s3 =	simm.s32 $0x0;
	s4 =	srdreg.scid  }
0x4: {  	s2 =	stileid.u32;
	s16 =	simm.s32 $0x4000;
	s17 =	simm.s32 $0x50  }
0x5: {  	s18 =	simm.s32 $0x8000;
	s19 =	simm.s32 $0x1;
	s20 =	simm.s32 $0x0  }
0x6: {  	[smem:$0x7FF] =	sst s3;
	s7 =	sand.u32 $0x1, s4;
	s9 =	smul.u32 $0x2800, s2  }
0x7: {  	s8 =	sshll.u32 s2, $0xB;
	s4 =	sadd.s32 $0x22800, s6;
	s10 =	smul.u32 $0x50000, s2  }
0x8: {  	s12 =	sadd.s32 $0x70C00, s6;
	s15 =	sadd.s32 $0x12C000, s1;
	p0 =	seq.s32 s2, $0xF  }
0x9: {  	_ =	strace $0x8000004D;
	s5 =	sshll.u32 s7, $0xF;
	s29 =	smul.u32 $0x27100, s7  }
0xa: {  	s26 =	ssub.s32 $0x2, s7;
	s30 =	smul.u32 $0x138800, s7;
	s5 =	sor.u32 s8, s5  }
0xb: {  	s11 =	sadd.s32 s9, s6;
	s13 =	sshrl.u32 s26, $0x1;
	s28 =	sshrl.u32 s10, $0x2  }
0xc: {  	s8 =	sadd.s32 s5, s6;
	s13 =	ssub.s32 s26, s13;
	s14 =	sadd.s32 s28, s1  }
0xd: {  	s5 =	sadd.s32 $0x49A00, s11;
	s6 =	sadd.s32 $0x6F200, s6;
	s9 =	sadd.s32 s9, s29  }
0xe: {  	s31 =	sshrl.u32 s30, $0x3;
	s7 =	sadd.s32 $0x2800, s8;
	s8 =	sadd.s32 $0x12800, s8  }
0xf: {  	s9 =	sadd.s32 s12, s9;
	s10 =	sadd.s32 s12, s31;
	s11 =	smax.u32 s13, $0x1  }
0x10: {  	s13 =	sshll.u32 @!p0 s2, $0x6;
	s12 =	sshrl.u32 @p0 s15, $0x3;
	s14 =	sshrl.u32 @!p0 s14, $0x3  }
0x11: {  	s15 =	simm.s32 $0x2;
	s10 =	sadd.s32 $0x25800, s10;
	s13 =	sor.u32 @!p0 $0x1C02, s13  }
.LBB2_1:
0x12: {  	s21 =	simm.s32 @p0 $0x1FC2  }
0x13: {  	[spmem:s12], [sflag:s21] =	dma.local @p0 [hbm:s6], $0x1900  }
0x14: {  	s21 =	simm.s32 @p0 $0x2  }
0x15: {  	_ =	swait.ge @p0 [sflag:s21], $0x1900  }
0x16: {  	[sflag:s21] =	ssyncset.done @p0 $0x0  }
0x17: {  	[sflag:s21] =	ssyncadd.s32 @p0 $0xFFFFE700;
	s21 =	simm.s32 @!p0 $0x2  }
0x18: {  	[spmem:s14], [sflag:s13] =	dma.local @!p0 [hbm:s5], $0x2800  }
0x19: {  	_ =	swait.ge @!p0 [sflag:s21], $0x2800  }
0x1a: {  	[sflag:s21] =	ssyncset.done @!p0 $0x0  }
0x1b: {  	[sflag:s21] =	ssyncadd.s32 @!p0 $0xFFFFD800  }
0x1c: {  	[tilespmem:s3], [sflag:$0x2] =	stream.linear.gather [hbm4b:s7+s3], $0x3E80, $0x38;
	[tilespmem:$0x1E080] =	vst v63  }
0x1d: {  	_ =	swait.ge [sflag:s15], $0x3E80  }
0x1e: {  	[sflag:s15] =	ssyncset.done $0x0  }
0x1f: {  	[sflag:s15] =	ssyncadd.s32 $0xFFFFC180  }
0x20: {  	[tilespmem:s16], [sflag:$0x2] =	stream.linear.gather [hbm4b:s8+s3], $0x3E80, $0x38;
	[tilespmem:$0x1E080] =	vst v63  }
0x21: {  	_ =	swait.ge [sflag:s15], $0x3E80  }
0x22: {  	[sflag:s15] =	ssyncset.done $0x0  }
0x23: {  	[sflag:s15] =	ssyncadd.s32 $0xFFFFC180  }
0x24: {  	s30 =	simm.s32 $0x0;
	[bflag:$0x0] =	sbarrier.arrive $0xFFFF  }
0x25: {  	[tilespmem:s18], [sflag:$0x1] =	stream.indirect.gather [hbm4b:s4+s17], $0x80, s30, s17, $0xb8;
	[tilespmem:$0x1E080] =	vst v63  }
0x26: {  	_ =	swait.ge [sflag:s19], $0x2800  }
0x27: {  	[sflag:s19] =	ssyncset.done $0x0  }
0x28: {  	s31 =	simm.s32 $0x4000;
	[sflag:s19] =	ssyncadd.s32 $0xFFFFD800  }
0x29: {  	[spmem:s1] =	stream.indirect.scatter.add.f32 [tilespmem:s18], [sflag:$0x2], $0x80, s31, s17, $0xb8;
	[tilespmem:$0x1E080] =	vst v63  }
0x2a: {  	_ =	swait.ge [sflag:s15], $0x2800  }
0x2b: {  	s22 =	simm.s32 $0x400;
	s21 =	simm.s32 $0x200;
	[sflag:s15] =	ssyncset.done $0x0  }
.LBB2_2:
0x2c: {  	s23 =	sshra.s32 s21, $0x2  }
0x2d: {  	[sflag:s15] =	ssyncadd.s32 $0xFFFFD800;
	s21 =	smov.u32 s22;
	s24 =	sadd.s32 $0x200, s22  }
0x2e: {  	[tilespmem:s18], [sflag:$0x1] =	stream.indirect.gather [hbm4b:s4+s17], $0x80, s23, s17, $0xb8;
	[tilespmem:$0x1E080] =	vst v63  }
0x2f: {  	p1 =	sne.s32 s22, $0xF800;
	_ =	swait.ge [sflag:s19], $0x2800  }
.Ltmp0:
0x30: {  	[sflag:s19] =	ssyncset.done $0x0;
	(pc) =	sbr.rel @p1 .LBB2_2-.Ltmp0, $4  }
0x31: {  	s22 =	sadd.s32 $0x4000, s23;
	[sflag:s19] =	ssyncadd.s32 $0xFFFFD800  }
0x32: {  	[spmem:s1] =	stream.indirect.scatter.add.f32 [tilespmem:s18], [sflag:$0x2], $0x80, s22, s17, $0xb8;
	[tilespmem:$0x1E080] =	vst v63  }
0x33: {  	_ =	swait.ge [sflag:s15], $0x2800  }
0x34: {  	s22 =	smov.u32 s24;
	[sflag:s15] =	ssyncset.done $0x0  }
0x35: {  	s21 =	sshra.s32 s21, $0x2;
	[sflag:s15] =	ssyncadd.s32 $0xFFFFD800  }
0x36: {  	[tilespmem:s18], [sflag:$0x1] =	stream.indirect.gather [hbm4b:s4+s17], $0x80, s21, s17, $0xb8;
	[tilespmem:$0x1E080] =	vst v63  }
0x37: {  	_ =	swait.ge [sflag:s19], $0x2800  }
0x38: {  	[sflag:s19] =	ssyncset.done $0x0  }
0x39: {  	s21 =	sadd.s32 $0x4000, s21;
	[sflag:s19] =	ssyncadd.s32 $0xFFFFD800  }
0x3a: {  	[spmem:s1] =	stream.indirect.scatter.add.f32 [tilespmem:s18], [sflag:$0x2], $0x80, s21, s17, $0xb8;
	[tilespmem:$0x1E080] =	vst v63  }
0x3b: {  	_ =	swait.ge [sflag:s15], $0x2800  }
0x3c: {  	[sflag:s15] =	ssyncset.done $0x0  }
0x3d: {  	[sflag:s15] =	ssyncadd.s32 $0xFFFFD800  }
0x3e: {  	s21 =	simm.s32 @p0 $0x1FC2;
	[bflag:$0x0] =	sbarrier.arrive $0xFFFF  }
0x3f: {  	[hbm:s10], [sflag:s21] =	dma.local @p0 [spmem:s12], $0x1900  }
0x40: {  	s21 =	simm.s32 @p0 $0x2  }
0x41: {  	s20 =	sadd.s32 $0x1, s20;
	_ =	swait.ge @p0 [sflag:s21], $0x1900  }
0x42: {  	p1 =	sne.s32 s20, s11;
	[sflag:s21] =	ssyncset.done @p0 $0x0  }
.Ltmp1:
0x43: {  	[sflag:s21] =	ssyncadd.s32 @p0 $0xFFFFE700;
	s21 =	simm.s32 @!p0 $0x2;
	(pc) =	sbr.rel @p1 .LBB2_1-.Ltmp1, $4  }
0x44: {  	[hbm:s9], [sflag:s13] =	dma.local @!p0 [spmem:s14], $0x2800  }
0x45: {  	_ =	swait.ge @!p0 [sflag:s21], $0x2800  }
0x46: {  	[sflag:s21] =	ssyncset.done @!p0 $0x0  }
0x47: {  	[sflag:s21] =	ssyncadd.s32 @!p0 $0xFFFFD800  }
0x48: {  	_ =	sfence.sel $0x180000  }
0x49: {  	[bflag:$0x0] =	sbarrier.arrive $0xFFFF  }
0x4a: {  	p0 =	sne.s32 s2, $0x0;
	_ =	strace $0x9000004D  }
0x4b: {  	s0 =	sadd.s32 @!p0 $0x100000, s0;
	[bflag:$0x2] =	sbarrier.arrive $0xFFFF  }
0x4c: {  	[sflag:s0] =	ssyncadd.tile.s32 @!p0 $0x1;
	_ =	shalt  }
.Lfunc_end2:
_tile_overlayer_lowered:
.L_overlay_start_2:
0x4d: {  	(tag) =	ssettag $0x2  }
0x4e: {  	s0 =	rddreg [dreg:$0x0];
	s2 =	stileid.u32  }
0x4f: {  	s1 =	rddreg [dreg:$0x1];
	p0 =	sne.s32 s2, $0x0  }
0x50: {  	s3 =	rddreg [dreg:$0x2];
	[bflag:$0x3] =	sbarrier.arrive $0xFFFF;
	s2 =	simm.s32 @!p0 $0x1C02  }
0x51: {  	[timem:s3], [sflag:s2] =	dma.local @!p0 [hbm:s0], s1  }
0x52: {  	s0 =	simm.s32 @!p0 $0x2  }
0x53: {  	_ =	swait.ge @!p0 [sflag:s0], s1  }
0x54: {  	s1 =	ssub.s32 @!p0 $0x0, s1;
	[sflag:s0] =	ssyncset.done @!p0 $0x0  }
0x55: {  	[sflag:s0] =	ssyncadd.s32 @!p0 s1  }
0x56: {  	[bflag:$0x3] =	sbarrier.arrive $0xFFFF  }
0x57: {  	_ =	shalt  }

// kernel: kernel.9.cloned.1.call-start
scs
__scs_entry_jumppad:
0x0: {  	(pc) =	sbr.rel $0x88, $3  }
0x1: {  	(tag) =	ssettag $0x0;
	lr =	simm.s32 $0x1  }
0x2: {  	[smem:$0x3F94] =	sst lr;
	_ =	strace $0xD0000000  }
0x3: {  	_ = 	snop  }
0x4: {  	_ = 	snop  }
0x5: {  	_ = 	snop  }
0x6: {  	_ = 	snop  }
0x7: {  	_ = 	snop  }
__scs_overlays_trampoline_lowered:
0x8: {  	[smem:$0x3FA3] =	sst s0  }
0x9: {  	[smem:$0x3FA4] =	sst s1  }
0xa: {  	[smem:$0x3FA5] =	sst s2  }
0xb: {  	[smem:$0x3FA6] =	sst s3  }
0xc: {  	[smem:$0x3FA7] =	sst s4  }
0xd: {  	[smem:$0x3FA8] =	sst s5  }
0xe: {  	[smem:$0x3FA9] =	sst s6  }
0xf: {  	[smem:$0x3FAA] =	sst s7  }
0x10: {  	[smem:$0x3FAB] =	sst s8  }
0x11: {  	[smem:$0x3FAC] =	sst s9;
	s0 =	simm.s32 @!p0 $0x0  }
0x12: {  	s1 =	sld [smem:$0x3F92];
	s0 =	simm.s32 @p0 $0x1  }
0x13: {  	[smem:$0x3FAD] =	sst s0;
	s0 =	simm.s32 @!p1 $0x0  }
0x14: {  	s2 =	sld [smem:$0x3F91];
	s0 =	simm.s32 @p1 $0x1  }
0x15: {  	[smem:$0x3FAE] =	sst s0;
	s0 =	simm.s32 @!p2 $0x0  }
0x16: {  	s3 =	sld [smem:$0x3FDB];
	s0 =	simm.s32 @p2 $0x1  }
0x17: {  	s4 =	simm.s32 $0x1BF5;
	[smem:$0x3FB0] =	sst s0  }
0x18: {  	s0 =	sld [smem:$0x3F93];
	_ =	swait.ge [sflag:s4], $0x0  }
0x19: {  	s7 =	sld [smem:$0x3F94]  }
0x1a: {  	s8 =	sadd.s32 $0xFFFFE003, lr  }
0x1b: {  	s9 =	sadd.s32 $0xFFFFFEF7, lr;
	s5 =	simm.s32 $0xFFFFFFFF;
	p2 =	slt.u32 s8, $0xFFFFF086  }
0x1c: {  	p1 =	slt.u32 s9, $0xF7A;
	s5 =	simm.s32 @!p2 $0x0  }
0x1d: {  	s5 =	simm.s32 @p1 $0x1;
	p0 =	seq.s32 s7, s2  }
0x1e: {  	s7 =	smul.u32 @!p0 $0xF7A, s2;
	p2 =	seq.s32 @!p0 s5, $0x0  }
0x1f: {  	s9 =	smul.u32 $0xF7A, s1;
	s8 =	simm.s32 @!p0 $0x1BF5;
	p2 =	por !p2, p0  }
0x20: {  	[sflag:s8] =	ssyncset.s32 @!p0 $0xFFFFF086;
	s6 =	sadd.s32 @!p0 s3, s7;
	s7 =	simm.s32 @!p0 $0x108  }
0x21: {  	s3 =	sadd.s32 s3, s9;
	s6 =	sadd.s32 @!p0 $0x88, s6;
	s7 =	simm.s32 @p2 $0x1082  }
0x22: {  	[simem:s7], [sflag:s8] =	dma.local @!p0 [hbm:s6], $0xF7A  }
0x23: {  	s9 =	sor.u32 $0xD0000000, s2;
	s6 =	simm.s32 $0x108;
	_ =	swait.ge @!p0 [sflag:s8], $0x0  }
0x24: {  	s3 =	sadd.s32 $0x88, s3;
	s6 =	simm.s32 @!p1 $0x1082;
	[sflag:s4] =	ssyncset.s32 $0xFFFFF086  }
0x25: {  	[simem:s6], [sflag:s4] =	dma.local [hbm:s3], $0xF7A  }
0x26: {  	[smem:$0x3F94] =	sst s1;
	(tag) =	ssettag s2;
	_ =	strace s9  }
0x27: {  	s1 =	sld [smem:$0x3FA4]  }
0x28: {  	s2 =	sld [smem:$0x3FA5]  }
0x29: {  	s4 =	sld [smem:$0x3FA7]  }
0x2a: {  	p0 =	seq.s32 s5, $0x0;
	s5 =	sld [smem:$0x3FA8]  }
0x2b: {  	s6 =	sld [smem:$0x3FA9]  }
0x2c: {  	s7 =	sld [smem:$0x3FAA]  }
0x2d: {  	s3 =	simm.s32 $0x108;
	s8 =	sld [smem:$0x3FAB]  }
0x2e: {  	s3 =	simm.s32 @!p0 $0x1082;
	s9 =	sld [smem:$0x3FAC]  }
0x2f: {  	lr =	sadd.s32 s0, s3;
	s0 =	sld [smem:$0x3FA3]  }
0x30: {  	s3 =	sld [smem:$0x3FA6]  }
0x31: {  	[smem:$0x3FAF] =	sst s10  }
0x32: {  	s10 =	sld [smem:$0x3FAD];
	_ =	sdelay $0x3  }
0x33: {  	p0 =	seq.s32 s10, $0x1;
	s10 =	sld [smem:$0x3FAF];
	_ =	sdelay $0x3  }
0x34: {  	[smem:$0x3FAF] =	sst s10  }
0x35: {  	s10 =	sld [smem:$0x3FAE];
	_ =	sdelay $0x3  }
0x36: {  	p1 =	seq.s32 s10, $0x1;
	s10 =	sld [smem:$0x3FAF];
	_ =	sdelay $0x3  }
0x37: {  	[smem:$0x3FAF] =	sst s10  }
0x38: {  	s10 =	sld [smem:$0x3FB0]  }
0x39: {  	_ = 	snop;
	(pc) =	sbr.ind lr, $3  }
0x3a: {  	_ = 	snop  }
0x3b: {  	_ = 	snop  }
0x3c: {  	p2 =	seq.s32 s10, $0x1;
	s10 =	sld [smem:$0x3FAF]  }
0x3d: {  	_ =	shalt  }
0x3e: {  	_ =	shalt  }
0x3f: {  	_ =	shalt  }
0x40: {  	_ =	shalt  }
0x41: {  	_ =	shalt  }
0x42: {  	_ =	shalt  }
0x43: {  	_ =	shalt  }
0x44: {  	_ =	shalt  }
0x45: {  	_ =	shalt  }
0x46: {  	_ =	shalt  }
0x47: {  	_ =	shalt  }
0x48: {  	_ =	shalt  }
0x49: {  	_ =	shalt  }
0x4a: {  	_ =	shalt  }
0x4b: {  	_ =	shalt  }
0x4c: {  	_ =	shalt  }
0x4d: {  	_ =	shalt  }
0x4e: {  	_ =	shalt  }
0x4f: {  	_ =	shalt  }
0x50: {  	_ =	shalt  }
0x51: {  	_ =	shalt  }
0x52: {  	_ =	shalt  }
0x53: {  	_ =	shalt  }
0x54: {  	_ =	shalt  }
0x55: {  	_ =	shalt  }
0x56: {  	_ =	shalt  }
0x57: {  	_ =	shalt  }
0x58: {  	_ =	shalt  }
0x59: {  	_ =	shalt  }
0x5a: {  	_ =	shalt  }
0x5b: {  	_ =	shalt  }
0x5c: {  	_ =	shalt  }
0x5d: {  	_ =	shalt  }
0x5e: {  	_ =	shalt  }
0x5f: {  	_ =	shalt  }
0x60: {  	_ =	shalt  }
0x61: {  	_ =	shalt  }
0x62: {  	_ =	shalt  }
0x63: {  	_ =	shalt  }
0x64: {  	_ =	shalt  }
0x65: {  	_ =	shalt  }
0x66: {  	_ =	shalt  }
0x67: {  	_ =	shalt  }
0x68: {  	_ =	shalt  }
0x69: {  	_ =	shalt  }
0x6a: {  	_ =	shalt  }
0x6b: {  	_ =	shalt  }
0x6c: {  	_ =	shalt  }
0x6d: {  	_ =	shalt  }
0x6e: {  	_ =	shalt  }
0x6f: {  	_ =	shalt  }
0x70: {  	_ =	shalt  }
0x71: {  	_ =	shalt  }
0x72: {  	_ =	shalt  }
0x73: {  	_ =	shalt  }
0x74: {  	_ =	shalt  }
0x75: {  	_ =	shalt  }
0x76: {  	_ =	shalt  }
0x77: {  	_ =	shalt  }
0x78: {  	_ =	shalt  }
0x79: {  	_ =	shalt  }
0x7a: {  	_ =	shalt  }
0x7b: {  	_ =	shalt  }
0x7c: {  	_ =	shalt  }
0x7d: {  	_ =	shalt  }
0x7e: {  	_ =	shalt  }
0x7f: {  	_ =	shalt  }
0x80: {  	_ =	shalt  }
0x81: {  	_ =	shalt  }
0x82: {  	_ =	shalt  }
0x83: {  	_ =	shalt  }
0x84: {  	_ =	shalt  }
0x85: {  	_ =	shalt  }
0x86: {  	_ =	shalt  }
0x87: {  	_ =	shalt  }
.Lfunc_end0:
.L_simem_size_0:
called_computation_lowered:
.L_overlay_start_0:
0x88: {  	s2 =	sld [smem:$0x3FD9]  }
0x89: {  	s3 =	sld [smem:$0x3FFE];
	_ =	sdelay $0x1  }
0x8a: {  	s1 =	srdreg.scid  }
0x8b: {  	s0 =	sand.u32 $0x1, s1  }
0x8c: {  	s16 =	sshll.u32 s0, $0xA;
	s2 =	sadd.s32 s3, s2  }
0x8d: {  	s2 =	sadd.s32 s2, s16  }
0x8e: {  	[smem:$0x3FBB] =	sst s2  }
0x8f: {  	_ = 	snop  }
0x90: {  	(tm) =	ssettm $0x1  }
0x91: {  	s17 =	sld [smem:$0x3FFB];
	_ =	sdelay $0x3  }
0x92: {  	_ =	strace s17  }
0x93: {  	s2 =	sld [smem:$0x3FFC];
	_ =	sdelay $0x3  }
0x94: {  	_ =	strace s2  }
0x95: {  	s2 =	sld [smem:$0x3FFD];
	_ =	sdelay $0x3  }
0x96: {  	_ =	strace s2  }
0x97: {  	_ =	strace $0x8FFFFFFF  }
0x98: {  	s18 =	sld [smem:$0x3FDB];
	_ =	sdelay $0x1  }
0x99: {  	s19 =	simm.s32 $_scs_section_size  }
0x9a: {  	s4 =	simm.s32 $_size__tile_overlayer_lowered;
	s5 =	simm.s32 $_tile_overlayer_lowered  }
0x9b: {  	s22 =	simm.s32 $0x1BFF;
	s21 =	sshll.u32 s5, $0x1;
	s2 =	sadd.s32 s19, s18  }
0x9c: {  	s6 =	simm.s32 $0x0;
	s20 =	sshll.u32 s4, $0x1;
	s4 =	sadd.s32 s21, s2  }
0x9d: {  	[timem:s6], [sflag:s22] =	dma.local [hbm:s4], s20  }
0x9e: {  	_ =	swait.ge [sflag:s22], s20  }
0x9f: {  	s3 =	ssub.s32 $0x0, s20;
	[sflag:s22] =	ssyncset.done $0x0  }
0xa0: {  	[sflag:s22] =	ssyncadd.s32 s3;
	_ =	sdelay $0x1  }
0xa1: {  	s23 =	simm.s32 $0x1B8B  }
0xa2: {  	_ =	swait.ge [sflag:s23], $0x1  }
0xa3: {  	[sflag:s23] =	ssyncset.done $0x0  }
0xa4: {  	s25 =	simm.s32 $0x1B8E;
	s24 =	sld [smem:$0x3FFE];
	[sflag:s23] =	ssyncadd.s32 $0xFFFFFFFF  }
0xa5: {  	s26 =	simm.s32 $execute0_lowered;
	[smem:$0x3FD2] =	sst s25  }
0xa6: {  	s4 =	sshll.u32 s26, $0x1;
	_ =	strace $0x80000046;
	[dreg:$0x1] =	wrdreg $0xFFFFFFFF  }
0xa7: {  	s28 =	simm.s32 $_size_execute0_lowered;
	s2 =	sadd.s32 s2, s4;
	[dreg:$0x0] =	wrdreg $0x0  }
0xa8: {  	s4 =	sshll.u32 s28, $0x1;
	[dreg:$0x2] =	wrdreg s2  }
0xa9: {  	[dreg:$0x3] =	wrdreg s4  }
0xaa: {  	[dreg:$0x4] =	wrdreg $0xC0  }
0xab: {  	_ =	task [dreg:s6], $0x5FFFF  }
0xac: {  	[dreg:$0x1] =	wrdreg $0xFFFFFFFF  }
0xad: {  	[dreg:$0x0] =	wrdreg $0x60  }
0xae: {  	[dreg:$0x2] =	wrdreg s24  }
0xaf: {  	[dreg:$0x3] =	wrdreg $0xA8000  }
0xb0: {  	[dreg:$0x4] =	wrdreg $0x9  }
0xb1: {  	_ =	task.clear_ibuf [dreg:s6], $0x5FFFF;
	_ =	strace $0x90000046  }
0xb2: {  	s29 =	simm.s32 $0x9;
	_ =	strace $0x80000048  }
0xb3: {  	_ =	swait.ge [sflag:s29], $0x1  }
0xb4: {  	[sflag:s29] =	ssyncadd.s32 $0xFFFFFFFF  }
0xb5: {  	_ =	strace $0x90000048  }
0xb6: {  	_ =	sfence  }
0xb7: {  	s30 =	sld [smem:$0x0];
	_ =	sdelay $0x2  }
0xb8: {  	s31 =	sshll.u32 s1, $0xD;
	s1 =	sshrl.u32 s1, $0x2  }
0xb9: {  	s3 =	sand.u32 $0x4000, s31;
	s1 =	sadd.s32 s1, s30  }
0xba: {  	s0 =	sor.u32 s3, s0;
	s1 =	sshll.u32 s1, $0x11  }
0xbb: {  	s0 =	sor.u32 s1, s0  }
0xbc: {  	s0 =	sadd.s32 $0x8F2B, s0  }
0xbd: {  	[sflag:s0] =	ssyncadd.remote.s32 $0x1  }
0xbe: {  	_ =	sfence.sel $0xFFFF  }
0xbf: {  	[dreg:$0x0] =	wrdreg $0xFFFFFFFF;
	(pc) =	sbr.abs _section_cstart, $3  }
0xc0: {  	[dreg:$0x1] =	wrdreg $0xFFFFFFFF  }
0xc1: {  	_ =	task.clear_ibuf [dreg:s6], $0x2FFFF;
	_ =	strace $0x9FFFFFFF  }
0xc2: {  	(tm) =	ssettm $0x7FFFFFFF  }
0xc3: {  	_ =	shalt  }
tec
execute0_lowered:
.L_overlay_start_1:
0x0: {  	(tag) =	ssettag $0x1  }
0x1: {  	s6 =	rddreg [dreg:$0x0]  }
0x2: {  	s1 =	rddreg [dreg:$0x1]  }
0x3: {  	s0 =	rddreg [dreg:$0x2];
	s3 =	simm.s32 $0x0;
	s4 =	srdreg.scid  }
0x4: {  	s2 =	stileid.u32;
	s16 =	simm.s32 $0x4000;
	s17 =	simm.s32 $0x50  }
0x5: {  	s18 =	simm.s32 $0x8000;
	s19 =	simm.s32 $0x1;
	s20 =	simm.s32 $0x0  }
0x6: {  	[smem:$0x7FF] =	sst s3;
	s7 =	sand.u32 $0x1, s4;
	s9 =	smul.u32 $0x2800, s2  }
0x7: {  	s8 =	sshll.u32 s2, $0xB;
	s4 =	sadd.s32 $0x22800, s6;
	s10 =	smul.u32 $0x50000, s2  }
0x8: {  	s12 =	sadd.s32 $0x70C00, s6;
	s15 =	sadd.s32 $0x12C000, s1;
	p0 =	seq.s32 s2, $0xF  }
0x9: {  	_ =	strace $0x80000047;
	s5 =	sshll.u32 s7, $0xF;
	s29 =	smul.u32 $0x27100, s7  }
0xa: {  	s26 =	ssub.s32 $0x2, s7;
	s30 =	smul.u32 $0x138800, s7;
	s5 =	sor.u32 s8, s5  }
0xb: {  	s11 =	sadd.s32 s9, s6;
	s13 =	sshrl.u32 s26, $0x1;
	s28 =	sshrl.u32 s10, $0x2  }
0xc: {  	s8 =	sadd.s32 s5, s6;
	s13 =	ssub.s32 s26, s13;
	s14 =	sadd.s32 s28, s1  }
0xd: {  	s5 =	sadd.s32 $0x49A00, s11;
	s6 =	sadd.s32 $0x6F200, s6;
	s9 =	sadd.s32 s9, s29  }
0xe: {  	s31 =	sshrl.u32 s30, $0x3;
	s7 =	sadd.s32 $0x2800, s8;
	s8 =	sadd.s32 $0x12800, s8  }
0xf: {  	s9 =	sadd.s32 s12, s9;
	s10 =	sadd.s32 s12, s31;
	s11 =	smax.u32 s13, $0x1  }
0x10: {  	s13 =	sshll.u32 @!p0 s2, $0x6;
	s12 =	sshrl.u32 @p0 s15, $0x3;
	s14 =	sshrl.u32 @!p0 s14, $0x3  }
0x11: {  	s15 =	simm.s32 $0x2;
	s10 =	sadd.s32 $0x25800, s10;
	s13 =	sor.u32 @!p0 $0x1C02, s13  }
.LBB2_1:
0x12: {  	s21 =	simm.s32 @p0 $0x1FC2  }
0x13: {  	[spmem:s12], [sflag:s21] =	dma.local @p0 [hbm:s6], $0x1900  }
0x14: {  	s21 =	simm.s32 @p0 $0x2  }
0x15: {  	_ =	swait.ge @p0 [sflag:s21], $0x1900  }
0x16: {  	[sflag:s21] =	ssyncset.done @p0 $0x0  }
0x17: {  	[sflag:s21] =	ssyncadd.s32 @p0 $0xFFFFE700;
	s21 =	simm.s32 @!p0 $0x2  }
0x18: {  	[spmem:s14], [sflag:s13] =	dma.local @!p0 [hbm:s5], $0x2800  }
0x19: {  	_ =	swait.ge @!p0 [sflag:s21], $0x2800  }
0x1a: {  	[sflag:s21] =	ssyncset.done @!p0 $0x0  }
0x1b: {  	[sflag:s21] =	ssyncadd.s32 @!p0 $0xFFFFD800  }
0x1c: {  	[tilespmem:s3], [sflag:$0x2] =	stream.linear.gather [hbm4b:s7+s3], $0x3E80, $0x38;
	[tilespmem:$0x1E080] =	vst v63  }
0x1d: {  	_ =	swait.ge [sflag:s15], $0x3E80  }
0x1e: {  	[sflag:s15] =	ssyncset.done $0x0  }
0x1f: {  	[sflag:s15] =	ssyncadd.s32 $0xFFFFC180  }
0x20: {  	[tilespmem:s16], [sflag:$0x2] =	stream.linear.gather [hbm4b:s8+s3], $0x3E80, $0x38;
	[tilespmem:$0x1E080] =	vst v63  }
0x21: {  	_ =	swait.ge [sflag:s15], $0x3E80  }
0x22: {  	[sflag:s15] =	ssyncset.done $0x0  }
0x23: {  	[sflag:s15] =	ssyncadd.s32 $0xFFFFC180  }
0x24: {  	s30 =	simm.s32 $0x0;
	[bflag:$0x0] =	sbarrier.arrive $0xFFFF  }
0x25: {  	[tilespmem:s18], [sflag:$0x1] =	stream.indirect.gather [hbm4b:s4+s17], $0x80, s30, s17, $0xb8;
	[tilespmem:$0x1E080] =	vst v63  }
0x26: {  	_ =	swait.ge [sflag:s19], $0x2800  }
0x27: {  	[sflag:s19] =	ssyncset.done $0x0  }
0x28: {  	s31 =	simm.s32 $0x4000;
	[sflag:s19] =	ssyncadd.s32 $0xFFFFD800  }
0x29: {  	[spmem:s1] =	stream.indirect.scatter.add.f32 [tilespmem:s18], [sflag:$0x2], $0x80, s31, s17, $0xb8;
	[tilespmem:$0x1E080] =	vst v63  }
0x2a: {  	_ =	swait.ge [sflag:s15], $0x2800  }
0x2b: {  	s22 =	simm.s32 $0x400;
	s21 =	simm.s32 $0x200;
	[sflag:s15] =	ssyncset.done $0x0  }
.LBB2_2:
0x2c: {  	s23 =	sshra.s32 s21, $0x2  }
0x2d: {  	[sflag:s15] =	ssyncadd.s32 $0xFFFFD800;
	s21 =	smov.u32 s22;
	s24 =	sadd.s32 $0x200, s22  }
0x2e: {  	[tilespmem:s18], [sflag:$0x1] =	stream.indirect.gather [hbm4b:s4+s17], $0x80, s23, s17, $0xb8;
	[tilespmem:$0x1E080] =	vst v63  }
0x2f: {  	p1 =	sne.s32 s22, $0xF800;
	_ =	swait.ge [sflag:s19], $0x2800  }
.Ltmp0:
0x30: {  	[sflag:s19] =	ssyncset.done $0x0;
	(pc) =	sbr.rel @p1 .LBB2_2-.Ltmp0, $4  }
0x31: {  	s22 =	sadd.s32 $0x4000, s23;
	[sflag:s19] =	ssyncadd.s32 $0xFFFFD800  }
0x32: {  	[spmem:s1] =	stream.indirect.scatter.add.f32 [tilespmem:s18], [sflag:$0x2], $0x80, s22, s17, $0xb8;
	[tilespmem:$0x1E080] =	vst v63  }
0x33: {  	_ =	swait.ge [sflag:s15], $0x2800  }
0x34: {  	s22 =	smov.u32 s24;
	[sflag:s15] =	ssyncset.done $0x0  }
0x35: {  	s21 =	sshra.s32 s21, $0x2;
	[sflag:s15] =	ssyncadd.s32 $0xFFFFD800  }
0x36: {  	[tilespmem:s18], [sflag:$0x1] =	stream.indirect.gather [hbm4b:s4+s17], $0x80, s21, s17, $0xb8;
	[tilespmem:$0x1E080] =	vst v63  }
0x37: {  	_ =	swait.ge [sflag:s19], $0x2800  }
0x38: {  	[sflag:s19] =	ssyncset.done $0x0  }
0x39: {  	s21 =	sadd.s32 $0x4000, s21;
	[sflag:s19] =	ssyncadd.s32 $0xFFFFD800  }
0x3a: {  	[spmem:s1] =	stream.indirect.scatter.add.f32 [tilespmem:s18], [sflag:$0x2], $0x80, s21, s17, $0xb8;
	[tilespmem:$0x1E080] =	vst v63  }
0x3b: {  	_ =	swait.ge [sflag:s15], $0x2800  }
0x3c: {  	[sflag:s15] =	ssyncset.done $0x0  }
0x3d: {  	[sflag:s15] =	ssyncadd.s32 $0xFFFFD800  }
0x3e: {  	s21 =	simm.s32 @p0 $0x1FC2;
	[bflag:$0x0] =	sbarrier.arrive $0xFFFF  }
0x3f: {  	[hbm:s10], [sflag:s21] =	dma.local @p0 [spmem:s12], $0x1900  }
0x40: {  	s21 =	simm.s32 @p0 $0x2  }
0x41: {  	s20 =	sadd.s32 $0x1, s20;
	_ =	swait.ge @p0 [sflag:s21], $0x1900  }
0x42: {  	p1 =	sne.s32 s20, s11;
	[sflag:s21] =	ssyncset.done @p0 $0x0  }
.Ltmp1:
0x43: {  	[sflag:s21] =	ssyncadd.s32 @p0 $0xFFFFE700;
	s21 =	simm.s32 @!p0 $0x2;
	(pc) =	sbr.rel @p1 .LBB2_1-.Ltmp1, $4  }
0x44: {  	[hbm:s9], [sflag:s13] =	dma.local @!p0 [spmem:s14], $0x2800  }
0x45: {  	_ =	swait.ge @!p0 [sflag:s21], $0x2800  }
0x46: {  	[sflag:s21] =	ssyncset.done @!p0 $0x0  }
0x47: {  	[sflag:s21] =	ssyncadd.s32 @!p0 $0xFFFFD800  }
0x48: {  	_ =	sfence.sel $0x180000  }
0x49: {  	[bflag:$0x0] =	sbarrier.arrive $0xFFFF  }
0x4a: {  	p0 =	sne.s32 s2, $0x0;
	_ =	strace $0x90000047  }
0x4b: {  	s0 =	sadd.s32 @!p0 $0x100000, s0;
	[bflag:$0x2] =	sbarrier.arrive $0xFFFF  }
0x4c: {  	[sflag:s0] =	ssyncadd.tile.s32 @!p0 $0x1;
	_ =	shalt  }
.Lfunc_end2:
_tile_overlayer_lowered:
.L_overlay_start_2:
0x4d: {  	(tag) =	ssettag $0x2  }
0x4e: {  	s0 =	rddreg [dreg:$0x0];
	s2 =	stileid.u32  }
0x4f: {  	s1 =	rddreg [dreg:$0x1];
	p0 =	sne.s32 s2, $0x0  }
0x50: {  	s3 =	rddreg [dreg:$0x2];
	[bflag:$0x3] =	sbarrier.arrive $0xFFFF;
	s2 =	simm.s32 @!p0 $0x1C02  }
0x51: {  	[timem:s3], [sflag:s2] =	dma.local @!p0 [hbm:s0], s1  }
0x52: {  	s0 =	simm.s32 @!p0 $0x2  }
0x53: {  	_ =	swait.ge @!p0 [sflag:s0], s1  }
0x54: {  	s1 =	ssub.s32 @!p0 $0x0, s1;
	[sflag:s0] =	ssyncset.done @!p0 $0x0  }
0x55: {  	[sflag:s0] =	ssyncadd.s32 @!p0 s1  }
0x56: {  	[bflag:$0x3] =	sbarrier.arrive $0xFFFF  }
0x57: {  	_ =	shalt  }

</sc_bundles>
